<compile_context>
chip_gen: v7x
topology: tpu7x:2x2x1
jax: 0.10.2.dev20260603
libtpu: 0.0.44.dev20260713+nightly
codegen_flags: <defaults>
</compile_context>

<pallas_src>
import functools

import jax
import jax.numpy as jnp
from jax import lax
from jax.experimental import pallas as pl
from jax.experimental.pallas import tpu as pltpu
from jax.experimental.pallas import tpu_sc as plsc

N = 10000
E = 320000
D_IN = 128
H0 = 64
H1 = 32
NP = 10240
NW = 32
EPW = E // NW
ROWS = 79
EPAD = ROWS * 128
SLICE = NP // 16
F32 = jnp.float32


def _sc_mesh():
    return plsc.VectorSubcoreMesh(core_axis_name="c", subcore_axis_name="s")


def _fill(ref, start, nvec, value):
    vec = jnp.full((16,), value, dtype=ref.dtype)

    def body(i, carry):
        ref[pl.ds(i * 16, 16)] = vec
        return carry

    lax.fori_loop(start, start + nvec, body, 0)


def _hist_kernel(dst_hbm, out_hbm, idx_v, vals_v, buf_v, acc_sh):
    cid = lax.axis_index("c")
    sid = lax.axis_index("s")
    wid = cid * 16 + sid
    _fill(buf_v, 0, SLICE // 16, 0.0)
    pltpu.sync_copy(buf_v, acc_sh.at[pl.ds(sid * SLICE, SLICE)])
    pltpu.sync_copy(dst_hbm.at[wid], idx_v)
    _fill(vals_v, 0, EPW // 16, 1.0)
    _fill(vals_v, EPW // 16, (EPAD - EPW) // 16, 0.0)
    plsc.subcore_barrier()
    def srow(j, carry):
        pltpu.sync_copy(vals_v.at[pl.ds(j * 128, 128)],
                        acc_sh.at[idx_v.at[j]], add=True)
        return carry
    lax.fori_loop(0, ROWS, srow, 0)
    plsc.subcore_barrier()
    pltpu.sync_copy(acc_sh.at[pl.ds(sid * SLICE, SLICE)], buf_v)
    pltpu.sync_copy(buf_v, out_hbm.at[cid, pl.ds(sid * SLICE, SLICE)])


def _edge_kernel(src_hbm, dst_hbm, a_hbm, out_hbm,
                 sidx_v, idx_v, a_v, vals_v, buf_v, acc_sh):
    cid = lax.axis_index("c")
    sid = lax.axis_index("s")
    wid = cid * 16 + sid
    _fill(buf_v, 0, SLICE // 16, 0.0)
    pltpu.sync_copy(buf_v, acc_sh.at[pl.ds(sid * SLICE, SLICE)])
    pltpu.sync_copy(src_hbm.at[wid], sidx_v)
    pltpu.sync_copy(dst_hbm.at[wid], idx_v)
    pltpu.sync_copy(a_hbm, a_v)

    def grow(j, carry):
        ids = sidx_v[pl.ds(j * 16, 16)]
        vals_v[pl.ds(j * 16, 16)] = plsc.load_gather(a_v, [ids])
        return carry
    lax.fori_loop(0, EPAD // 16, grow, 0)
    plsc.subcore_barrier()

    def srow(j, carry):
        pltpu.sync_copy(vals_v.at[pl.ds(j * 128, 128)],
                        acc_sh.at[idx_v.at[j]], add=True)
        return carry
    lax.fori_loop(0, ROWS, srow, 0)
    plsc.subcore_barrier()
    pltpu.sync_copy(acc_sh.at[pl.ds(sid * SLICE, SLICE)], buf_v)
    pltpu.sync_copy(buf_v, out_hbm.at[cid, pl.ds(sid * SLICE, SLICE)])


def _hist_call():
    return pl.kernel(
        _hist_kernel,
        out_type=jax.ShapeDtypeStruct((2, NP), F32),
        mesh=_sc_mesh(),
        compiler_params=pltpu.CompilerParams(needs_layout_passes=False),
        scratch_types=[
            pltpu.VMEM((ROWS, 128), jnp.int32),
            pltpu.VMEM((EPAD,), F32),
            pltpu.VMEM((SLICE,), F32),
            pltpu.VMEM_SHARED((NP,), F32),
        ],
    )


def _edge_call():
    return pl.kernel(
        _edge_kernel,
        out_type=jax.ShapeDtypeStruct((2, NP), F32),
        mesh=_sc_mesh(),
        compiler_params=pltpu.CompilerParams(needs_layout_passes=False),
        scratch_types=[
            pltpu.VMEM((EPAD,), jnp.int32),
            pltpu.VMEM((ROWS, 128), jnp.int32),
            pltpu.VMEM((NP,), F32),
            pltpu.VMEM((EPAD,), F32),
            pltpu.VMEM((SLICE,), F32),
            pltpu.VMEM_SHARED((NP,), F32),
        ],
    )


def _dense_body(x_ref, w1_ref, b1_ref, wg_ref, wo_ref, z_ref):
    wc = jnp.dot(wg_ref[...], wo_ref[...], preferred_element_type=F32)
    h = jnp.maximum(
        jnp.dot(x_ref[...], w1_ref[...], preferred_element_type=F32)
        + b1_ref[...], 0.0)
    z_ref[...] = jnp.dot(h, wc, preferred_element_type=F32)


def _prep_body(hp_ref, z_ref, a_ref, dinv_ref):
    hp = hp_ref[...]
    deg = hp[0] + hp[1] + 1.0
    dinv = lax.rsqrt(deg)
    r = lax.broadcasted_iota(jnp.int32, (NP // 128, 128), 0)
    c = lax.broadcasted_iota(jnp.int32, (NP // 128, 128), 1)
    zm = jnp.where(r * 128 + c < N, z_ref[...], 0.0)
    a_ref[...] = zm * dinv
    dinv_ref[...] = dinv


def _final_body(sp_ref, a_ref, dinv_ref, bg_ref, wo_ref, bo_ref, y_ref):
    cb = jnp.dot(bg_ref[...], wo_ref[...], preferred_element_type=F32) \
        + bo_ref[...]
    sp = sp_ref[...]
    y_ref[...] = dinv_ref[...] * (sp[0] + sp[1] + a_ref[...]) + cb


def _softplus(v):
    return jnp.logaddexp(v, 0.0)


def kernel(x, edge_index, in_w_mu, in_w_rho, in_b_mu, in_b_rho,
           g_w_mu, g_w_rho, g_b_mu, g_b_rho,
           o_w_mu, o_w_rho, o_b_mu, o_b_rho):
    keys = jax.random.split(jax.random.key(42), 6)

    def sample(mu, rho, k):
        eps = jax.random.normal(k, mu.shape, dtype=mu.dtype)
        return mu + jax.nn.softplus(rho) * eps

    w1 = sample(in_w_mu, in_w_rho, keys[0])
    b1 = sample(in_b_mu, in_b_rho, keys[1])
    wg = sample(g_w_mu, g_w_rho, keys[2])
    bg = sample(g_b_mu, g_b_rho, keys[3])
    wo = sample(o_w_mu, o_w_rho, keys[4])
    bo = sample(o_b_mu, o_b_rho, keys[5])

    xp = jnp.pad(x, ((0, NP - N), (0, 0)))
    src = edge_index[0].reshape(NW, EPW)
    dst = edge_index[1].reshape(NW, EPW)
    srcp = jnp.pad(src, ((0, 0), (0, EPAD - EPW)), constant_values=N)
    dstp = jnp.pad(dst, ((0, 0), (0, EPAD - EPW)), constant_values=0)
    dst3 = dstp.reshape(NW, ROWS, 128)

    hp = _hist_call()(dst3)

    z = pl.pallas_call(
        _dense_body,
        out_shape=jax.ShapeDtypeStruct((NP, 1), F32),
    )(xp, w1, b1.reshape(1, H0), wg, wo)

    a80, dinv80 = pl.pallas_call(
        _prep_body,
        out_shape=[jax.ShapeDtypeStruct((NP // 128, 128), F32),
                   jax.ShapeDtypeStruct((NP // 128, 128), F32)],
    )(hp.reshape(2, NP // 128, 128), z.reshape(NP // 128, 128))

    sp = _edge_call()(srcp, dst3, a80.reshape(NP))

    y80 = pl.pallas_call(
        _final_body,
        out_shape=jax.ShapeDtypeStruct((NP // 128, 128), F32),
    )(sp.reshape(2, NP // 128, 128), a80, dinv80,
      bg.reshape(1, H1), wo, bo.reshape(1, 1))

    return y80.reshape(NP, 1)[:N]

# --- scband reference (transcript-rebuilt; emitter-appended) ---
"""Pipeline reference for scband-bayesian-gnn-12841952215418 (READ-ONLY COPY).

The authoritative reference and input builder live on the scoring server;
editing this copy changes nothing except your own understanding.
"""

import jax, jax.numpy as jnp
import numpy as np

N = 10000
E = 320000
D_IN = 128
H0 = 64
H1 = 32
OUT = 1


def _sample(mu, rho, key):
    eps = jax.random.normal(key, mu.shape, dtype=mu.dtype)
    return mu + jax.nn.softplus(rho) * eps


def _gcn_conv(h, src, dst, W, b, n):
    # GCN with self-loops and symmetric normalization
    loop = jnp.arange(n, dtype=src.dtype)
    s = jnp.concatenate([src, loop])
    d = jnp.concatenate([dst, loop])
    hw = h @ W
    deg = jnp.zeros((n,), dtype=h.dtype).at[d].add(1.0)
    dinv = jax.lax.rsqrt(deg)
    norm = dinv[s] * dinv[d]
    msg = hw[s] * norm[:, None]
    out = jnp.zeros((n, hw.shape[1]), dtype=h.dtype).at[d].add(msg)
    return out + b


def _init_bayes_linear(k, fan_in, fan_out):
    w_mu = jax.random.normal(k, (fan_in, fan_out), dtype=jnp.float32) * (1.0 / np.sqrt(fan_in))
    w_rho = jnp.full((fan_in, fan_out), -5.0, dtype=jnp.float32)
    b_mu = jnp.zeros((fan_out,), dtype=jnp.float32)
    b_rho = jnp.full((fan_out,), -5.0, dtype=jnp.float32)
    return w_mu, w_rho, b_mu, b_rho


def setup_inputs(seed: int = 0):
    key = jax.random.key(seed)
    ks = jax.random.split(key, 8)
    x = jax.random.normal(ks[0], (N, D_IN), dtype=jnp.float32)
    edge_index = jax.random.randint(ks[1], (2, E), 0, N, dtype=jnp.int32)
    in_w_mu, in_w_rho, in_b_mu, in_b_rho = _init_bayes_linear(ks[2], D_IN, H0)
    g_w_mu, g_w_rho, g_b_mu, g_b_rho = _init_bayes_linear(ks[3], H0, H1)
    o_w_mu, o_w_rho, o_b_mu, o_b_rho = _init_bayes_linear(ks[4], H1, OUT)
    return {
        "x": x, "edge_index": edge_index,
        "in_w_mu": in_w_mu, "in_w_rho": in_w_rho, "in_b_mu": in_b_mu, "in_b_rho": in_b_rho,
        "g_w_mu": g_w_mu, "g_w_rho": g_w_rho, "g_b_mu": g_b_mu, "g_b_rho": g_b_rho,
        "o_w_mu": o_w_mu, "o_w_rho": o_w_rho, "o_b_mu": o_b_mu, "o_b_rho": o_b_rho,
    }


def reference(x, edge_index, in_w_mu, in_w_rho, in_b_mu, in_b_rho,
              g_w_mu, g_w_rho, g_b_mu, g_b_rho,
              o_w_mu, o_w_rho, o_b_mu, o_b_rho):
    # sample=True path; eval mode so variational dropout is identity
    keys = jax.random.split(jax.random.key(42), 6)
    # input_proj: BayesianLinear(input_dim -> hidden_dims[0])
    W1 = _sample(in_w_mu, in_w_rho, keys[0])
    b1 = _sample(in_b_mu, in_b_rho, keys[1])
    h = jax.nn.relu(x @ W1 + b1)
    # single BayesianGCNConv(hidden_dims[0] -> hidden_dims[1]); last layer -> no relu after
    Wg = _sample(g_w_mu, g_w_rho, keys[2])
    bg = _sample(g_b_mu, g_b_rho, keys[3])
    src = edge_index[0]
    dst = edge_index[1]
    h = _gcn_conv(h, src, dst, Wg, bg, x.shape[0])
    # batch is None -> no global_mean_pool
    # output_layer: BayesianLinear(hidden_dims[-1] -> output_dim) (use_uncertainty=False)
    Wo = _sample(o_w_mu, o_w_rho, keys[4])
    bo = _sample(o_b_mu, o_b_rho, keys[5])
    return h @ Wo + bo

if __name__ == "__main__":
    import jax
    _d = setup_inputs()
    print(jax.jit(kernel)(*tuple(_d.values())))

</pallas_src>

<mosaic_0001>
#map = affine_map<(d0, d1) -> (0, 0, 0)>
#map1 = affine_map<(d0, d1) -> (0, 0)>
module attributes {stable_mosaic.version = 14 : i64} {
  func.func @_hist_kernel(%arg0: i32, %arg1: i32, %arg2: memref<32x79x128xi32, #tpu.memory_space<hbm>>, %arg3: memref<2x10240xf32, #tpu.memory_space<hbm>>, %arg4: memref<79x128xi32, #tpu.memory_space<vmem>>, %arg5: memref<10112xf32, #tpu.memory_space<vmem>>, %arg6: memref<640xf32, #tpu.memory_space<vmem>>, %arg7: memref<10240xf32, #tpu.memory_space<vmem_shared>>) attributes {dimension_semantics = [#tpu.dimension_semantics<core_parallel>, #tpu.dimension_semantics<subcore_parallel>], iteration_bounds = array<i64: 2, 16>, scalar_prefetch = 0 : i64, scratch_operands = 4 : i64, tpu.core_type = #tpu.core_type<sc_vector_subcore>, window_params = [{transform_indices = #map}, {transform_indices = #map1}]} {
    %mul3A = arith.constant 16 : i32
    %mul3A_0 = arith.muli %arg0, %mul3A : i32
    %add3A = arith.addi %mul3A_0, %arg1 : i32
    %broadcast_in_dim3A = arith.constant 0.000000e+00 : f32
    %broadcast_in_dim3A_1 = vector.broadcast %broadcast_in_dim3A : f32 to vector<16xf32>
    %scan3A = arith.constant 0 : i32
    %scan3A_2 = arith.constant 0 : i32
    %scan3A_3 = arith.constant 40 : i32
    %scan3A_4 = arith.addi %scan3A_2, %scan3A_3 : i32
    %scan3A_5 = arith.constant 1 : i32
    scf.for %scan3A_36 = %scan3A_2 to %scan3A_4 step %scan3A_5  : i32 {
      %mul3A_37 = arith.constant 16 : i32
      %mul3A_38 = arith.muli %scan3A_36, %mul3A_37 : i32
      %swap3A = arith.index_cast %mul3A_38 : i32 to index
      %swap3A_39 = tpu.vector_load %arg6[%swap3A] {strides = array<i32>} : memref<640xf32, #tpu.memory_space<vmem>>, vector<16xf32>,
      tpu.vector_store %arg6[%swap3A], %broadcast_in_dim3A_1 {strides = array<i32>} : memref<640xf32, #tpu.memory_space<vmem>>, vector<16xf32>,
    }
    %scan3A_6 = arith.constant 40 : i32
    %mul3A_7 = arith.constant 640 : i32
    %mul3A_8 = arith.muli %arg1, %mul3A_7 : i32
    "tpu.region"() ({
      %run_scoped3A = tpu.sem_alloc : memref<!tpu.dma_semaphore, #tpu.memory_space<semaphore_mem>>
      %dma_start3A = tpu.memref_slice %arg7[%mul3A_8] : memref<10240xf32, #tpu.memory_space<vmem_shared>> -> memref<640xf32, #tpu.memory_space<vmem_shared>>
      %dma_start3A_36 = tpu.memref_slice %arg7[%mul3A_8] : memref<10240xf32, #tpu.memory_space<vmem_shared>> -> memref<640xf32, #tpu.memory_space<vmem_shared>>
      tpu.enqueue_dma source(%arg6 : memref<640xf32, #tpu.memory_space<vmem>>) target(%dma_start3A_36 : memref<640xf32, #tpu.memory_space<vmem_shared>>) target_semaphore(%run_scoped3A : memref<!tpu.dma_semaphore, #tpu.memory_space<semaphore_mem>>)
      %dma_wait3A = tpu.memref_slice %arg7[%mul3A_8] : memref<10240xf32, #tpu.memory_space<vmem_shared>> -> memref<640xf32, #tpu.memory_space<vmem_shared>>
      %dma_wait3A_37 = tpu.memref_slice %arg7[%mul3A_8] : memref<10240xf32, #tpu.memory_space<vmem_shared>> -> memref<640xf32, #tpu.memory_space<vmem_shared>>
      tpu.wait_dma2 semaphore(%run_scoped3A : memref<!tpu.dma_semaphore, #tpu.memory_space<semaphore_mem>>) src(%arg6 : memref<640xf32, #tpu.memory_space<vmem>>) dst(%dma_wait3A_37 : memref<640xf32, #tpu.memory_space<vmem_shared>>)
      tpu.yield
    }) : () -> ()
    "tpu.region"() ({
      %run_scoped3A = tpu.sem_alloc : memref<!tpu.dma_semaphore, #tpu.memory_space<semaphore_mem>>
      %dma_start3A = arith.constant 0 : i32
      %dma_start3A_36 = arith.constant 0 : i32
      %dma_start3A_37 = tpu.memref_slice %arg2[%add3A, %dma_start3A, %dma_start3A_36] : memref<32x79x128xi32, #tpu.memory_space<hbm>> -> memref<1x79x128xi32, #tpu.memory_space<hbm>>
      %dma_start3A_38 = tpu.memref_squeeze %dma_start3A_37 : memref<1x79x128xi32, #tpu.memory_space<hbm>> -> memref<79x128xi32, #tpu.memory_space<hbm>>
      %dma_start3A_39 = arith.constant 0 : i32
      %dma_start3A_40 = arith.constant 0 : i32
      %dma_start3A_41 = tpu.memref_slice %arg2[%add3A, %dma_start3A_39, %dma_start3A_40] : memref<32x79x128xi32, #tpu.memory_space<hbm>> -> memref<1x79x128xi32, #tpu.memory_space<hbm>>
      %dma_start3A_42 = tpu.memref_squeeze %dma_start3A_41 : memref<1x79x128xi32, #tpu.memory_space<hbm>> -> memref<79x128xi32, #tpu.memory_space<hbm>>
      tpu.enqueue_dma source(%dma_start3A_42 : memref<79x128xi32, #tpu.memory_space<hbm>>) target(%arg4 : memref<79x128xi32, #tpu.memory_space<vmem>>) target_semaphore(%run_scoped3A : memref<!tpu.dma_semaphore, #tpu.memory_space<semaphore_mem>>)
      %dma_wait3A = arith.constant 0 : i32
      %dma_wait3A_43 = arith.constant 0 : i32
      %dma_wait3A_44 = tpu.memref_slice %arg2[%add3A, %dma_wait3A, %dma_wait3A_43] : memref<32x79x128xi32, #tpu.memory_space<hbm>> -> memref<1x79x128xi32, #tpu.memory_space<hbm>>
      %dma_wait3A_45 = tpu.memref_squeeze %dma_wait3A_44 : memref<1x79x128xi32, #tpu.memory_space<hbm>> -> memref<79x128xi32, #tpu.memory_space<hbm>>
      %dma_wait3A_46 = arith.constant 0 : i32
      %dma_wait3A_47 = arith.constant 0 : i32
      %dma_wait3A_48 = tpu.memref_slice %arg2[%add3A, %dma_wait3A_46, %dma_wait3A_47] : memref<32x79x128xi32, #tpu.memory_space<hbm>> -> memref<1x79x128xi32, #tpu.memory_space<hbm>>
      %dma_wait3A_49 = tpu.memref_squeeze %dma_wait3A_48 : memref<1x79x128xi32, #tpu.memory_space<hbm>> -> memref<79x128xi32, #tpu.memory_space<hbm>>
      tpu.wait_dma2 semaphore(%run_scoped3A : memref<!tpu.dma_semaphore, #tpu.memory_space<semaphore_mem>>) src(%dma_wait3A_49 : memref<79x128xi32, #tpu.memory_space<hbm>>) dst(%arg4 : memref<79x128xi32, #tpu.memory_space<vmem>>)
      tpu.yield
    }) : () -> ()
    %broadcast_in_dim3A_9 = arith.constant 1.000000e+00 : f32
    %broadcast_in_dim3A_10 = vector.broadcast %broadcast_in_dim3A_9 : f32 to vector<16xf32>
    %scan3A_11 = arith.constant 0 : i32
    %scan3A_12 = arith.constant 0 : i32
    %scan3A_13 = arith.constant 625 : i32
    %scan3A_14 = arith.addi %scan3A_12, %scan3A_13 : i32
    %scan3A_15 = arith.constant 1 : i32
    scf.for %scan3A_36 = %scan3A_12 to %scan3A_14 step %scan3A_15  : i32 {
      %mul3A_37 = arith.constant 16 : i32
      %mul3A_38 = arith.muli %scan3A_36, %mul3A_37 : i32
      %swap3A = arith.index_cast %mul3A_38 : i32 to index
      %swap3A_39 = tpu.vector_load %arg5[%swap3A] {strides = array<i32>} : memref<10112xf32, #tpu.memory_space<vmem>>, vector<16xf32>,
      tpu.vector_store %arg5[%swap3A], %broadcast_in_dim3A_10 {strides = array<i32>} : memref<10112xf32, #tpu.memory_space<vmem>>, vector<16xf32>,
    }
    %scan3A_16 = arith.constant 625 : i32
    %broadcast_in_dim3A_17 = arith.constant 0.000000e+00 : f32
    %broadcast_in_dim3A_18 = vector.broadcast %broadcast_in_dim3A_17 : f32 to vector<16xf32>
    %scan3A_19 = arith.constant 0 : i32
    %scan3A_20 = arith.constant 625 : i32
    %scan3A_21 = arith.constant 7 : i32
    %scan3A_22 = arith.addi %scan3A_20, %scan3A_21 : i32
    %scan3A_23 = arith.constant 1 : i32
    scf.for %scan3A_36 = %scan3A_20 to %scan3A_22 step %scan3A_23  : i32 {
      %mul3A_37 = arith.constant 16 : i32
      %mul3A_38 = arith.muli %scan3A_36, %mul3A_37 : i32
      %swap3A = arith.index_cast %mul3A_38 : i32 to index
      %swap3A_39 = tpu.vector_load %arg5[%swap3A] {strides = array<i32>} : memref<10112xf32, #tpu.memory_space<vmem>>, vector<16xf32>,
      tpu.vector_store %arg5[%swap3A], %broadcast_in_dim3A_18 {strides = array<i32>} : memref<10112xf32, #tpu.memory_space<vmem>>, vector<16xf32>,
    }
    %scan3A_24 = arith.constant 7 : i32
    %barrier3A = arith.constant 0 : index
    tpu.barrier barrier_id(%barrier3A)
    %scan3A_25 = arith.constant 0 : i32
    %scan3A_26 = arith.constant 0 : i32
    %scan3A_27 = arith.constant 79 : i32
    %scan3A_28 = arith.addi %scan3A_26, %scan3A_27 : i32
    %scan3A_29 = arith.constant 1 : i32
    scf.for %scan3A_36 = %scan3A_26 to %scan3A_28 step %scan3A_29  : i32 {
      %mul3A_37 = arith.constant 128 : i32
      %mul3A_38 = arith.muli %scan3A_36, %mul3A_37 : i32
      "tpu.region"() ({
        %run_scoped3A = tpu.sem_alloc : memref<!tpu.dma_semaphore, #tpu.memory_space<semaphore_mem>>
        %dma_start3A = tpu.memref_slice %arg5[%mul3A_38] : memref<10112xf32, #tpu.memory_space<vmem>> -> memref<128xf32, #tpu.memory_space<vmem>>
        %dma_start3A_39 = arith.constant 0 : i32
        %dma_start3A_40 = tpu.memref_slice %arg4[%scan3A_36, %dma_start3A_39] : memref<79x128xi32, #tpu.memory_space<vmem>> -> memref<1x128xi32, #tpu.memory_space<vmem>>
        %dma_start3A_41 = tpu.memref_squeeze %dma_start3A_40 : memref<1x128xi32, #tpu.memory_space<vmem>> -> memref<128xi32, #tpu.memory_space<vmem>>
        %dma_start3A_42 = arith.constant 0 : i32
        %dma_start3A_43 = tpu.memref_slice %arg7[%dma_start3A_42] : memref<10240xf32, #tpu.memory_space<vmem_shared>> -> memref<10240xf32, #tpu.memory_space<vmem_shared>>
        tpu.enqueue_indirect_dma source(%dma_start3A : memref<128xf32, #tpu.memory_space<vmem>>) target(%dma_start3A_43 : memref<10240xf32, #tpu.memory_space<vmem_shared>>) offsets(%dma_start3A_41 : memref<128xi32, #tpu.memory_space<vmem>>) semaphore(%run_scoped3A : memref<!tpu.dma_semaphore, #tpu.memory_space<semaphore_mem>>) {add = true}
        %dma_wait3A = tpu.memref_slice %arg5[%mul3A_38] : memref<10112xf32, #tpu.memory_space<vmem>> -> memref<128xf32, #tpu.memory_space<vmem>>
        %dma_wait3A_44 = arith.constant 0 : i32
        %dma_wait3A_45 = tpu.memref_slice %arg4[%scan3A_36, %dma_wait3A_44] : memref<79x128xi32, #tpu.memory_space<vmem>> -> memref<1x128xi32, #tpu.memory_space<vmem>>
        %dma_wait3A_46 = tpu.memref_squeeze %dma_wait3A_45 : memref<1x128xi32, #tpu.memory_space<vmem>> -> memref<128xi32, #tpu.memory_space<vmem>>
        %dma_wait3A_47 = arith.constant 0 : i32
        %dma_wait3A_48 = tpu.memref_slice %arg7[%dma_wait3A_47] : memref<10240xf32, #tpu.memory_space<vmem_shared>> -> memref<10240xf32, #tpu.memory_space<vmem_shared>>
        tpu.wait_indirect_dma semaphore(%run_scoped3A : memref<!tpu.dma_semaphore, #tpu.memory_space<semaphore_mem>>) src(%dma_wait3A : memref<128xf32, #tpu.memory_space<vmem>>) dst(%dma_wait3A_48 : memref<10240xf32, #tpu.memory_space<vmem_shared>>)
        tpu.yield
      }) : () -> ()
    }
    %scan3A_30 = arith.constant 79 : i32
    %barrier3A_31 = arith.constant 0 : index
    tpu.barrier barrier_id(%barrier3A_31)
    %mul3A_32 = arith.constant 640 : i32
    %mul3A_33 = arith.muli %arg1, %mul3A_32 : i32
    "tpu.region"() ({
      %run_scoped3A = tpu.sem_alloc : memref<!tpu.dma_semaphore, #tpu.memory_space<semaphore_mem>>
      %dma_start3A = tpu.memref_slice %arg7[%mul3A_33] : memref<10240xf32, #tpu.memory_space<vmem_shared>> -> memref<640xf32, #tpu.memory_space<vmem_shared>>
      %dma_start3A_36 = tpu.memref_slice %arg7[%mul3A_33] : memref<10240xf32, #tpu.memory_space<vmem_shared>> -> memref<640xf32, #tpu.memory_space<vmem_shared>>
      tpu.enqueue_dma source(%dma_start3A_36 : memref<640xf32, #tpu.memory_space<vmem_shared>>) target(%arg6 : memref<640xf32, #tpu.memory_space<vmem>>) target_semaphore(%run_scoped3A : memref<!tpu.dma_semaphore, #tpu.memory_space<semaphore_mem>>)
      %dma_wait3A = tpu.memref_slice %arg7[%mul3A_33] : memref<10240xf32, #tpu.memory_space<vmem_shared>> -> memref<640xf32, #tpu.memory_space<vmem_shared>>
      %dma_wait3A_37 = tpu.memref_slice %arg7[%mul3A_33] : memref<10240xf32, #tpu.memory_space<vmem_shared>> -> memref<640xf32, #tpu.memory_space<vmem_shared>>
      tpu.wait_dma2 semaphore(%run_scoped3A : memref<!tpu.dma_semaphore, #tpu.memory_space<semaphore_mem>>) src(%dma_wait3A_37 : memref<640xf32, #tpu.memory_space<vmem_shared>>) dst(%arg6 : memref<640xf32, #tpu.memory_space<vmem>>)
      tpu.yield
    }) : () -> ()
    %mul3A_34 = arith.constant 640 : i32
    %mul3A_35 = arith.muli %arg1, %mul3A_34 : i32
    "tpu.region"() ({
      %run_scoped3A = tpu.sem_alloc : memref<!tpu.dma_semaphore, #tpu.memory_space<semaphore_mem>>
      %dma_start3A = tpu.memref_slice %arg3[%arg0, %mul3A_35] : memref<2x10240xf32, #tpu.memory_space<hbm>> -> memref<1x640xf32, #tpu.memory_space<hbm>>
      %dma_start3A_36 = tpu.memref_squeeze %dma_start3A : memref<1x640xf32, #tpu.memory_space<hbm>> -> memref<640xf32, #tpu.memory_space<hbm>>
      %dma_start3A_37 = tpu.memref_slice %arg3[%arg0, %mul3A_35] : memref<2x10240xf32, #tpu.memory_space<hbm>> -> memref<1x640xf32, #tpu.memory_space<hbm>>
      %dma_start3A_38 = tpu.memref_squeeze %dma_start3A_37 : memref<1x640xf32, #tpu.memory_space<hbm>> -> memref<640xf32, #tpu.memory_space<hbm>>
      tpu.enqueue_dma source(%arg6 : memref<640xf32, #tpu.memory_space<vmem>>) target(%dma_start3A_38 : memref<640xf32, #tpu.memory_space<hbm>>) target_semaphore(%run_scoped3A : memref<!tpu.dma_semaphore, #tpu.memory_space<semaphore_mem>>)
      %dma_wait3A = tpu.memref_slice %arg3[%arg0, %mul3A_35] : memref<2x10240xf32, #tpu.memory_space<hbm>> -> memref<1x640xf32, #tpu.memory_space<hbm>>
      %dma_wait3A_39 = tpu.memref_squeeze %dma_wait3A : memref<1x640xf32, #tpu.memory_space<hbm>> -> memref<640xf32, #tpu.memory_space<hbm>>
      %dma_wait3A_40 = tpu.memref_slice %arg3[%arg0, %mul3A_35] : memref<2x10240xf32, #tpu.memory_space<hbm>> -> memref<1x640xf32, #tpu.memory_space<hbm>>
      %dma_wait3A_41 = tpu.memref_squeeze %dma_wait3A_40 : memref<1x640xf32, #tpu.memory_space<hbm>> -> memref<640xf32, #tpu.memory_space<hbm>>
      tpu.wait_dma2 semaphore(%run_scoped3A : memref<!tpu.dma_semaphore, #tpu.memory_space<semaphore_mem>>) src(%arg6 : memref<640xf32, #tpu.memory_space<vmem>>) dst(%dma_wait3A_41 : memref<640xf32, #tpu.memory_space<hbm>>)
      tpu.yield
    }) : () -> ()
    return
  }
}

#map = affine_map<(d0, d1) -> (0, 0)>
#map1 = affine_map<(d0, d1) -> (0, 0, 0)>
#map2 = affine_map<(d0, d1) -> (0)>
module attributes {stable_mosaic.version = 14 : i64} {
  func.func @_edge_kernel(%arg0: i32, %arg1: i32, %arg2: memref<32x10112xi32, #tpu.memory_space<hbm>>, %arg3: memref<32x79x128xi32, #tpu.memory_space<hbm>>, %arg4: memref<10240xf32, #tpu.memory_space<hbm>>, %arg5: memref<2x10240xf32, #tpu.memory_space<hbm>>, %arg6: memref<10112xi32, #tpu.memory_space<vmem>>, %arg7: memref<79x128xi32, #tpu.memory_space<vmem>>, %arg8: memref<10240xf32, #tpu.memory_space<vmem>>, %arg9: memref<10112xf32, #tpu.memory_space<vmem>>, %arg10: memref<640xf32, #tpu.memory_space<vmem>>, %arg11: memref<10240xf32, #tpu.memory_space<vmem_shared>>) attributes {dimension_semantics = [#tpu.dimension_semantics<core_parallel>, #tpu.dimension_semantics<subcore_parallel>], iteration_bounds = array<i64: 2, 16>, scalar_prefetch = 0 : i64, scratch_operands = 6 : i64, tpu.core_type = #tpu.core_type<sc_vector_subcore>, window_params = [{transform_indices = #map}, {transform_indices = #map1}, {transform_indices = #map2}, {transform_indices = #map}]} {
    %mul3A = arith.constant 16 : i32
    %mul3A_0 = arith.muli %arg0, %mul3A : i32
    %add3A = arith.addi %mul3A_0, %arg1 : i32
    %broadcast_in_dim3A = arith.constant 0.000000e+00 : f32
    %broadcast_in_dim3A_1 = vector.broadcast %broadcast_in_dim3A : f32 to vector<16xf32>
    %scan3A = arith.constant 0 : i32
    %scan3A_2 = arith.constant 0 : i32
    %scan3A_3 = arith.constant 40 : i32
    %scan3A_4 = arith.addi %scan3A_2, %scan3A_3 : i32
    %scan3A_5 = arith.constant 1 : i32
    scf.for %scan3A_26 = %scan3A_2 to %scan3A_4 step %scan3A_5  : i32 {
      %mul3A_27 = arith.constant 16 : i32
      %mul3A_28 = arith.muli %scan3A_26, %mul3A_27 : i32
      %swap3A = arith.index_cast %mul3A_28 : i32 to index
      %swap3A_29 = tpu.vector_load %arg10[%swap3A] {strides = array<i32>} : memref<640xf32, #tpu.memory_space<vmem>>, vector<16xf32>,
      tpu.vector_store %arg10[%swap3A], %broadcast_in_dim3A_1 {strides = array<i32>} : memref<640xf32, #tpu.memory_space<vmem>>, vector<16xf32>,
    }
    %scan3A_6 = arith.constant 40 : i32
    %mul3A_7 = arith.constant 640 : i32
    %mul3A_8 = arith.muli %arg1, %mul3A_7 : i32
    "tpu.region"() ({
      %run_scoped3A = tpu.sem_alloc : memref<!tpu.dma_semaphore, #tpu.memory_space<semaphore_mem>>
      %dma_start3A = tpu.memref_slice %arg11[%mul3A_8] : memref<10240xf32, #tpu.memory_space<vmem_shared>> -> memref<640xf32, #tpu.memory_space<vmem_shared>>
      %dma_start3A_26 = tpu.memref_slice %arg11[%mul3A_8] : memref<10240xf32, #tpu.memory_space<vmem_shared>> -> memref<640xf32, #tpu.memory_space<vmem_shared>>
      tpu.enqueue_dma source(%arg10 : memref<640xf32, #tpu.memory_space<vmem>>) target(%dma_start3A_26 : memref<640xf32, #tpu.memory_space<vmem_shared>>) target_semaphore(%run_scoped3A : memref<!tpu.dma_semaphore, #tpu.memory_space<semaphore_mem>>)
      %dma_wait3A = tpu.memref_slice %arg11[%mul3A_8] : memref<10240xf32, #tpu.memory_space<vmem_shared>> -> memref<640xf32, #tpu.memory_space<vmem_shared>>
      %dma_wait3A_27 = tpu.memref_slice %arg11[%mul3A_8] : memref<10240xf32, #tpu.memory_space<vmem_shared>> -> memref<640xf32, #tpu.memory_space<vmem_shared>>
      tpu.wait_dma2 semaphore(%run_scoped3A : memref<!tpu.dma_semaphore, #tpu.memory_space<semaphore_mem>>) src(%arg10 : memref<640xf32, #tpu.memory_space<vmem>>) dst(%dma_wait3A_27 : memref<640xf32, #tpu.memory_space<vmem_shared>>)
      tpu.yield
    }) : () -> ()
    "tpu.region"() ({
      %run_scoped3A = tpu.sem_alloc : memref<!tpu.dma_semaphore, #tpu.memory_space<semaphore_mem>>
      %dma_start3A = arith.constant 0 : i32
      %dma_start3A_26 = tpu.memref_slice %arg2[%add3A, %dma_start3A] : memref<32x10112xi32, #tpu.memory_space<hbm>> -> memref<1x10112xi32, #tpu.memory_space<hbm>>
      %dma_start3A_27 = tpu.memref_squeeze %dma_start3A_26 : memref<1x10112xi32, #tpu.memory_space<hbm>> -> memref<10112xi32, #tpu.memory_space<hbm>>
      %dma_start3A_28 = arith.constant 0 : i32
      %dma_start3A_29 = tpu.memref_slice %arg2[%add3A, %dma_start3A_28] : memref<32x10112xi32, #tpu.memory_space<hbm>> -> memref<1x10112xi32, #tpu.memory_space<hbm>>
      %dma_start3A_30 = tpu.memref_squeeze %dma_start3A_29 : memref<1x10112xi32, #tpu.memory_space<hbm>> -> memref<10112xi32, #tpu.memory_space<hbm>>
      tpu.enqueue_dma source(%dma_start3A_30 : memref<10112xi32, #tpu.memory_space<hbm>>) target(%arg6 : memref<10112xi32, #tpu.memory_space<vmem>>) target_semaphore(%run_scoped3A : memref<!tpu.dma_semaphore, #tpu.memory_space<semaphore_mem>>)
      %dma_wait3A = arith.constant 0 : i32
      %dma_wait3A_31 = tpu.memref_slice %arg2[%add3A, %dma_wait3A] : memref<32x10112xi32, #tpu.memory_space<hbm>> -> memref<1x10112xi32, #tpu.memory_space<hbm>>
      %dma_wait3A_32 = tpu.memref_squeeze %dma_wait3A_31 : memref<1x10112xi32, #tpu.memory_space<hbm>> -> memref<10112xi32, #tpu.memory_space<hbm>>
      %dma_wait3A_33 = arith.constant 0 : i32
      %dma_wait3A_34 = tpu.memref_slice %arg2[%add3A, %dma_wait3A_33] : memref<32x10112xi32, #tpu.memory_space<hbm>> -> memref<1x10112xi32, #tpu.memory_space<hbm>>
      %dma_wait3A_35 = tpu.memref_squeeze %dma_wait3A_34 : memref<1x10112xi32, #tpu.memory_space<hbm>> -> memref<10112xi32, #tpu.memory_space<hbm>>
      tpu.wait_dma2 semaphore(%run_scoped3A : memref<!tpu.dma_semaphore, #tpu.memory_space<semaphore_mem>>) src(%dma_wait3A_35 : memref<10112xi32, #tpu.memory_space<hbm>>) dst(%arg6 : memref<10112xi32, #tpu.memory_space<vmem>>)
      tpu.yield
    }) : () -> ()
    "tpu.region"() ({
      %run_scoped3A = tpu.sem_alloc : memref<!tpu.dma_semaphore, #tpu.memory_space<semaphore_mem>>
      %dma_start3A = arith.constant 0 : i32
      %dma_start3A_26 = arith.constant 0 : i32
      %dma_start3A_27 = tpu.memref_slice %arg3[%add3A, %dma_start3A, %dma_start3A_26] : memref<32x79x128xi32, #tpu.memory_space<hbm>> -> memref<1x79x128xi32, #tpu.memory_space<hbm>>
      %dma_start3A_28 = tpu.memref_squeeze %dma_start3A_27 : memref<1x79x128xi32, #tpu.memory_space<hbm>> -> memref<79x128xi32, #tpu.memory_space<hbm>>
      %dma_start3A_29 = arith.constant 0 : i32
      %dma_start3A_30 = arith.constant 0 : i32
      %dma_start3A_31 = tpu.memref_slice %arg3[%add3A, %dma_start3A_29, %dma_start3A_30] : memref<32x79x128xi32, #tpu.memory_space<hbm>> -> memref<1x79x128xi32, #tpu.memory_space<hbm>>
      %dma_start3A_32 = tpu.memref_squeeze %dma_start3A_31 : memref<1x79x128xi32, #tpu.memory_space<hbm>> -> memref<79x128xi32, #tpu.memory_space<hbm>>
      tpu.enqueue_dma source(%dma_start3A_32 : memref<79x128xi32, #tpu.memory_space<hbm>>) target(%arg7 : memref<79x128xi32, #tpu.memory_space<vmem>>) target_semaphore(%run_scoped3A : memref<!tpu.dma_semaphore, #tpu.memory_space<semaphore_mem>>)
      %dma_wait3A = arith.constant 0 : i32
      %dma_wait3A_33 = arith.constant 0 : i32
      %dma_wait3A_34 = tpu.memref_slice %arg3[%add3A, %dma_wait3A, %dma_wait3A_33] : memref<32x79x128xi32, #tpu.memory_space<hbm>> -> memref<1x79x128xi32, #tpu.memory_space<hbm>>
      %dma_wait3A_35 = tpu.memref_squeeze %dma_wait3A_34 : memref<1x79x128xi32, #tpu.memory_space<hbm>> -> memref<79x128xi32, #tpu.memory_space<hbm>>
      %dma_wait3A_36 = arith.constant 0 : i32
      %dma_wait3A_37 = arith.constant 0 : i32
      %dma_wait3A_38 = tpu.memref_slice %arg3[%add3A, %dma_wait3A_36, %dma_wait3A_37] : memref<32x79x128xi32, #tpu.memory_space<hbm>> -> memref<1x79x128xi32, #tpu.memory_space<hbm>>
      %dma_wait3A_39 = tpu.memref_squeeze %dma_wait3A_38 : memref<1x79x128xi32, #tpu.memory_space<hbm>> -> memref<79x128xi32, #tpu.memory_space<hbm>>
      tpu.wait_dma2 semaphore(%run_scoped3A : memref<!tpu.dma_semaphore, #tpu.memory_space<semaphore_mem>>) src(%dma_wait3A_39 : memref<79x128xi32, #tpu.memory_space<hbm>>) dst(%arg7 : memref<79x128xi32, #tpu.memory_space<vmem>>)
      tpu.yield
    }) : () -> ()
    "tpu.region"() ({
      %run_scoped3A = tpu.sem_alloc : memref<!tpu.dma_semaphore, #tpu.memory_space<semaphore_mem>>
      tpu.enqueue_dma source(%arg4 : memref<10240xf32, #tpu.memory_space<hbm>>) target(%arg8 : memref<10240xf32, #tpu.memory_space<vmem>>) target_semaphore(%run_scoped3A : memref<!tpu.dma_semaphore, #tpu.memory_space<semaphore_mem>>)
      tpu.wait_dma2 semaphore(%run_scoped3A : memref<!tpu.dma_semaphore, #tpu.memory_space<semaphore_mem>>) src(%arg4 : memref<10240xf32, #tpu.memory_space<hbm>>) dst(%arg8 : memref<10240xf32, #tpu.memory_space<vmem>>)
      tpu.yield
    }) : () -> ()
    %scan3A_9 = arith.constant 0 : i32
    %scan3A_10 = arith.constant 0 : i32
    %scan3A_11 = arith.constant 632 : i32
    %scan3A_12 = arith.addi %scan3A_10, %scan3A_11 : i32
    %scan3A_13 = arith.constant 1 : i32
    scf.for %scan3A_26 = %scan3A_10 to %scan3A_12 step %scan3A_13  : i32 {
      %mul3A_27 = arith.constant 16 : i32
      %mul3A_28 = arith.muli %scan3A_26, %mul3A_27 : i32
      %get3A = arith.index_cast %mul3A_28 : i32 to index
      %get3A_29 = tpu.vector_load %arg6[%get3A] {strides = array<i32>} : memref<10112xi32, #tpu.memory_space<vmem>>, vector<16xi32>,
      %gather3A = tpu.vector_load_idx %arg8[%get3A_29] : memref<10240xf32, #tpu.memory_space<vmem>>[vector<16xi32>], vector<16xf32>,
      %mul3A_30 = arith.constant 16 : i32
      %mul3A_31 = arith.muli %scan3A_26, %mul3A_30 : i32
      %swap3A = arith.index_cast %mul3A_31 : i32 to index
      %swap3A_32 = tpu.vector_load %arg9[%swap3A] {strides = array<i32>} : memref<10112xf32, #tpu.memory_space<vmem>>, vector<16xf32>,
      tpu.vector_store %arg9[%swap3A], %gather3A {strides = array<i32>} : memref<10112xf32, #tpu.memory_space<vmem>>, vector<16xf32>,
    }
    %scan3A_14 = arith.constant 632 : i32
    %barrier3A = arith.constant 0 : index
    tpu.barrier barrier_id(%barrier3A)
    %scan3A_15 = arith.constant 0 : i32
    %scan3A_16 = arith.constant 0 : i32
    %scan3A_17 = arith.constant 79 : i32
    %scan3A_18 = arith.addi %scan3A_16, %scan3A_17 : i32
    %scan3A_19 = arith.constant 1 : i32
    scf.for %scan3A_26 = %scan3A_16 to %scan3A_18 step %scan3A_19  : i32 {
      %mul3A_27 = arith.constant 128 : i32
      %mul3A_28 = arith.muli %scan3A_26, %mul3A_27 : i32
      "tpu.region"() ({
        %run_scoped3A = tpu.sem_alloc : memref<!tpu.dma_semaphore, #tpu.memory_space<semaphore_mem>>
        %dma_start3A = tpu.memref_slice %arg9[%mul3A_28] : memref<10112xf32, #tpu.memory_space<vmem>> -> memref<128xf32, #tpu.memory_space<vmem>>
        %dma_start3A_29 = arith.constant 0 : i32
        %dma_start3A_30 = tpu.memref_slice %arg7[%scan3A_26, %dma_start3A_29] : memref<79x128xi32, #tpu.memory_space<vmem>> -> memref<1x128xi32, #tpu.memory_space<vmem>>
        %dma_start3A_31 = tpu.memref_squeeze %dma_start3A_30 : memref<1x128xi32, #tpu.memory_space<vmem>> -> memref<128xi32, #tpu.memory_space<vmem>>
        %dma_start3A_32 = arith.constant 0 : i32
        %dma_start3A_33 = tpu.memref_slice %arg11[%dma_start3A_32] : memref<10240xf32, #tpu.memory_space<vmem_shared>> -> memref<10240xf32, #tpu.memory_space<vmem_shared>>
        tpu.enqueue_indirect_dma source(%dma_start3A : memref<128xf32, #tpu.memory_space<vmem>>) target(%dma_start3A_33 : memref<10240xf32, #tpu.memory_space<vmem_shared>>) offsets(%dma_start3A_31 : memref<128xi32, #tpu.memory_space<vmem>>) semaphore(%run_scoped3A : memref<!tpu.dma_semaphore, #tpu.memory_space<semaphore_mem>>) {add = true}
        %dma_wait3A = tpu.memref_slice %arg9[%mul3A_28] : memref<10112xf32, #tpu.memory_space<vmem>> -> memref<128xf32, #tpu.memory_space<vmem>>
        %dma_wait3A_34 = arith.constant 0 : i32
        %dma_wait3A_35 = tpu.memref_slice %arg7[%scan3A_26, %dma_wait3A_34] : memref<79x128xi32, #tpu.memory_space<vmem>> -> memref<1x128xi32, #tpu.memory_space<vmem>>
        %dma_wait3A_36 = tpu.memref_squeeze %dma_wait3A_35 : memref<1x128xi32, #tpu.memory_space<vmem>> -> memref<128xi32, #tpu.memory_space<vmem>>
        %dma_wait3A_37 = arith.constant 0 : i32
        %dma_wait3A_38 = tpu.memref_slice %arg11[%dma_wait3A_37] : memref<10240xf32, #tpu.memory_space<vmem_shared>> -> memref<10240xf32, #tpu.memory_space<vmem_shared>>
        tpu.wait_indirect_dma semaphore(%run_scoped3A : memref<!tpu.dma_semaphore, #tpu.memory_space<semaphore_mem>>) src(%dma_wait3A : memref<128xf32, #tpu.memory_space<vmem>>) dst(%dma_wait3A_38 : memref<10240xf32, #tpu.memory_space<vmem_shared>>)
        tpu.yield
      }) : () -> ()
    }
    %scan3A_20 = arith.constant 79 : i32
    %barrier3A_21 = arith.constant 0 : index
    tpu.barrier barrier_id(%barrier3A_21)
    %mul3A_22 = arith.constant 640 : i32
    %mul3A_23 = arith.muli %arg1, %mul3A_22 : i32
    "tpu.region"() ({
      %run_scoped3A = tpu.sem_alloc : memref<!tpu.dma_semaphore, #tpu.memory_space<semaphore_mem>>
      %dma_start3A = tpu.memref_slice %arg11[%mul3A_23] : memref<10240xf32, #tpu.memory_space<vmem_shared>> -> memref<640xf32, #tpu.memory_space<vmem_shared>>
      %dma_start3A_26 = tpu.memref_slice %arg11[%mul3A_23] : memref<10240xf32, #tpu.memory_space<vmem_shared>> -> memref<640xf32, #tpu.memory_space<vmem_shared>>
      tpu.enqueue_dma source(%dma_start3A_26 : memref<640xf32, #tpu.memory_space<vmem_shared>>) target(%arg10 : memref<640xf32, #tpu.memory_space<vmem>>) target_semaphore(%run_scoped3A : memref<!tpu.dma_semaphore, #tpu.memory_space<semaphore_mem>>)
      %dma_wait3A = tpu.memref_slice %arg11[%mul3A_23] : memref<10240xf32, #tpu.memory_space<vmem_shared>> -> memref<640xf32, #tpu.memory_space<vmem_shared>>
      %dma_wait3A_27 = tpu.memref_slice %arg11[%mul3A_23] : memref<10240xf32, #tpu.memory_space<vmem_shared>> -> memref<640xf32, #tpu.memory_space<vmem_shared>>
      tpu.wait_dma2 semaphore(%run_scoped3A : memref<!tpu.dma_semaphore, #tpu.memory_space<semaphore_mem>>) src(%dma_wait3A_27 : memref<640xf32, #tpu.memory_space<vmem_shared>>) dst(%arg10 : memref<640xf32, #tpu.memory_space<vmem>>)
      tpu.yield
    }) : () -> ()
    %mul3A_24 = arith.constant 640 : i32
    %mul3A_25 = arith.muli %arg1, %mul3A_24 : i32
    "tpu.region"() ({
      %run_scoped3A = tpu.sem_alloc : memref<!tpu.dma_semaphore, #tpu.memory_space<semaphore_mem>>
      %dma_start3A = tpu.memref_slice %arg5[%arg0, %mul3A_25] : memref<2x10240xf32, #tpu.memory_space<hbm>> -> memref<1x640xf32, #tpu.memory_space<hbm>>
      %dma_start3A_26 = tpu.memref_squeeze %dma_start3A : memref<1x640xf32, #tpu.memory_space<hbm>> -> memref<640xf32, #tpu.memory_space<hbm>>
      %dma_start3A_27 = tpu.memref_slice %arg5[%arg0, %mul3A_25] : memref<2x10240xf32, #tpu.memory_space<hbm>> -> memref<1x640xf32, #tpu.memory_space<hbm>>
      %dma_start3A_28 = tpu.memref_squeeze %dma_start3A_27 : memref<1x640xf32, #tpu.memory_space<hbm>> -> memref<640xf32, #tpu.memory_space<hbm>>
      tpu.enqueue_dma source(%arg10 : memref<640xf32, #tpu.memory_space<vmem>>) target(%dma_start3A_28 : memref<640xf32, #tpu.memory_space<hbm>>) target_semaphore(%run_scoped3A : memref<!tpu.dma_semaphore, #tpu.memory_space<semaphore_mem>>)
      %dma_wait3A = tpu.memref_slice %arg5[%arg0, %mul3A_25] : memref<2x10240xf32, #tpu.memory_space<hbm>> -> memref<1x640xf32, #tpu.memory_space<hbm>>
      %dma_wait3A_29 = tpu.memref_squeeze %dma_wait3A : memref<1x640xf32, #tpu.memory_space<hbm>> -> memref<640xf32, #tpu.memory_space<hbm>>
      %dma_wait3A_30 = tpu.memref_slice %arg5[%arg0, %mul3A_25] : memref<2x10240xf32, #tpu.memory_space<hbm>> -> memref<1x640xf32, #tpu.memory_space<hbm>>
      %dma_wait3A_31 = tpu.memref_squeeze %dma_wait3A_30 : memref<1x640xf32, #tpu.memory_space<hbm>> -> memref<640xf32, #tpu.memory_space<hbm>>
      tpu.wait_dma2 semaphore(%run_scoped3A : memref<!tpu.dma_semaphore, #tpu.memory_space<semaphore_mem>>) src(%arg10 : memref<640xf32, #tpu.memory_space<vmem>>) dst(%dma_wait3A_31 : memref<640xf32, #tpu.memory_space<hbm>>)
      tpu.yield
    }) : () -> ()
    return
  }
}

module attributes {stable_mosaic.version = 14 : i64} {
  func.func @_dense_body(%arg0: memref<10240x128xf32, #tpu.memory_space<vmem>>, %arg1: memref<128x64xf32, #tpu.memory_space<vmem>>, %arg2: memref<1x64xf32, #tpu.memory_space<vmem>>, %arg3: memref<64x32xf32, #tpu.memory_space<vmem>>, %arg4: memref<32x1xf32, #tpu.memory_space<vmem>>, %arg5: memref<10240x1xf32, #tpu.memory_space<vmem>>) attributes {dimension_semantics = [], scalar_prefetch = 0 : i64, scratch_operands = 0 : i64, tpu.core_type = #tpu.core_type<tc>} {
    %get3A = arith.constant 0 : index
    %get3A_0 = arith.constant 0 : index
    %get3A_1 = vector.load %arg3[%get3A, %get3A_0] : memref<64x32xf32, #tpu.memory_space<vmem>>, vector<64x32xf32>
    %get3A_2 = arith.constant 0 : index
    %get3A_3 = arith.constant 0 : index
    %get3A_4 = vector.load %arg4[%get3A_2, %get3A_3] : memref<32x1xf32, #tpu.memory_space<vmem>>, vector<32x1xf32>
    %dot_general3A = arith.constant dense<0.000000e+00> : vector<64x1xf32>
    %dot_general3A_5 = tpu.matmul %get3A_1, %get3A_4, %dot_general3A {dimension_numbers = #tpu.dot_dimension_numbers<[1], [0], [0], [1], [0, 0, 1, 1], [], []>, transpose_lhs_hint = false} : vector<64x32xf32>, vector<32x1xf32>, vector<64x1xf32> -> vector<64x1xf32>
    %get3A_6 = arith.constant 0 : index
    %get3A_7 = arith.constant 0 : index
    %get3A_8 = vector.load %arg0[%get3A_6, %get3A_7] : memref<10240x128xf32, #tpu.memory_space<vmem>>, vector<10240x128xf32>
    %get3A_9 = arith.constant 0 : index
    %get3A_10 = arith.constant 0 : index
    %get3A_11 = vector.load %arg1[%get3A_9, %get3A_10] : memref<128x64xf32, #tpu.memory_space<vmem>>, vector<128x64xf32>
    %dot_general3A_12 = arith.constant dense<0.000000e+00> : vector<10240x64xf32>
    %dot_general3A_13 = tpu.matmul %get3A_8, %get3A_11, %dot_general3A_12 {dimension_numbers = #tpu.dot_dimension_numbers<[1], [0], [0], [1], [0, 0, 1, 1], [], []>, transpose_lhs_hint = false} : vector<10240x128xf32>, vector<128x64xf32>, vector<10240x64xf32> -> vector<10240x64xf32>
    %get3A_14 = arith.constant 0 : index
    %get3A_15 = arith.constant 0 : index
    %get3A_16 = vector.load %arg2[%get3A_14, %get3A_15] : memref<1x64xf32, #tpu.memory_space<vmem>>, vector<1x64xf32>
    %add3A = vector.broadcast %get3A_16 : vector<1x64xf32> to vector<10240x64xf32>
    %add3A_17 = arith.addf %dot_general3A_13, %add3A : vector<10240x64xf32>
    %max3A = arith.constant 0.000000e+00 : f32
    %max3A_18 = vector.broadcast %max3A : f32 to vector<10240x64xf32>
    %max3A_19 = arith.maximumf %add3A_17, %max3A_18 : vector<10240x64xf32>
    %dot_general3A_20 = arith.constant dense<0.000000e+00> : vector<10240x1xf32>
    %dot_general3A_21 = tpu.matmul %max3A_19, %dot_general3A_5, %dot_general3A_20 {dimension_numbers = #tpu.dot_dimension_numbers<[1], [0], [0], [1], [0, 0, 1, 1], [], []>, transpose_lhs_hint = false} : vector<10240x64xf32>, vector<64x1xf32>, vector<10240x1xf32> -> vector<10240x1xf32>
    %swap3A = arith.constant 0 : index
    %swap3A_22 = arith.constant 0 : index
    %swap3A_23 = vector.load %arg5[%swap3A, %swap3A_22] : memref<10240x1xf32, #tpu.memory_space<vmem>>, vector<10240x1xf32>
    tpu.vector_store %arg5[%swap3A, %swap3A_22], %dot_general3A_21 {strides = array<i32>} : memref<10240x1xf32, #tpu.memory_space<vmem>>, vector<10240x1xf32>,
    return
  }
}

module attributes {stable_mosaic.version = 14 : i64} {
  func.func @_prep_body(%arg0: memref<2x80x128xf32, #tpu.memory_space<vmem>>, %arg1: memref<80x128xf32, #tpu.memory_space<vmem>>, %arg2: memref<80x128xf32, #tpu.memory_space<vmem>>, %arg3: memref<80x128xf32, #tpu.memory_space<vmem>>) attributes {dimension_semantics = [], scalar_prefetch = 0 : i64, scratch_operands = 0 : i64, tpu.core_type = #tpu.core_type<tc>} {
    %get3A = arith.constant 0 : index
    %get3A_0 = arith.constant 0 : index
    %get3A_1 = arith.constant 0 : index
    %get3A_2 = vector.load %arg0[%get3A, %get3A_0, %get3A_1] : memref<2x80x128xf32, #tpu.memory_space<vmem>>, vector<2x80x128xf32>
    %slice3A = vector.extract_strided_slice %get3A_2 {offsets = [0, 0, 0], sizes = [1, 80, 128], strides = [1, 1, 1]} : vector<2x80x128xf32> to vector<1x80x128xf32>
    %squeeze3A = vector.shape_cast %slice3A : vector<1x80x128xf32> to vector<80x128xf32>
    %slice3A_3 = vector.extract_strided_slice %get3A_2 {offsets = [1, 0, 0], sizes = [1, 80, 128], strides = [1, 1, 1]} : vector<2x80x128xf32> to vector<1x80x128xf32>
    %squeeze3A_4 = vector.shape_cast %slice3A_3 : vector<1x80x128xf32> to vector<80x128xf32>
    %add3A = arith.addf %squeeze3A, %squeeze3A_4 : vector<80x128xf32>
    %add3A_5 = arith.constant 1.000000e+00 : f32
    %add3A_6 = vector.broadcast %add3A_5 : f32 to vector<80x128xf32>
    %add3A_7 = arith.addf %add3A, %add3A_6 : vector<80x128xf32>
    %rsqrt3A = math.rsqrt %add3A_7 : vector<80x128xf32>
    %iota3A = tpu.iota {dimensions = array<i32: 0>} : vector<80x128xi32>
    %iota3A_8 = tpu.iota {dimensions = array<i32: 1>} : vector<80x128xi32>
    %mul3A = arith.constant 128 : i32
    %mul3A_9 = vector.broadcast %mul3A : i32 to vector<80x128xi32>
    %mul3A_10 = arith.muli %iota3A, %mul3A_9 : vector<80x128xi32>
    %add3A_11 = arith.addi %mul3A_10, %iota3A_8 : vector<80x128xi32>
    %lt3A = arith.constant 10000 : i32
    %lt3A_12 = vector.broadcast %lt3A : i32 to vector<80x128xi32>
    %lt3A_13 = arith.cmpi slt, %add3A_11, %lt3A_12 : vector<80x128xi32>
    %get3A_14 = arith.constant 0 : index
    %get3A_15 = arith.constant 0 : index
    %get3A_16 = vector.load %arg1[%get3A_14, %get3A_15] : memref<80x128xf32, #tpu.memory_space<vmem>>, vector<80x128xf32>
    %jit3A = arith.constant 0.000000e+00 : f32
    %broadcast_in_dim3A = vector.broadcast %jit3A : f32 to vector<80x128xf32>
    %select_n3A = arith.select %lt3A_13, %get3A_16, %broadcast_in_dim3A : vector<80x128xi1>, vector<80x128xf32>
    %mul3A_17 = arith.mulf %select_n3A, %rsqrt3A : vector<80x128xf32>
    %swap3A = arith.constant 0 : index
    %swap3A_18 = arith.constant 0 : index
    %swap3A_19 = vector.load %arg2[%swap3A, %swap3A_18] : memref<80x128xf32, #tpu.memory_space<vmem>>, vector<80x128xf32>
    tpu.vector_store %arg2[%swap3A, %swap3A_18], %mul3A_17 {strides = array<i32>} : memref<80x128xf32, #tpu.memory_space<vmem>>, vector<80x128xf32>,
    %swap3A_20 = arith.constant 0 : index
    %swap3A_21 = arith.constant 0 : index
    %swap3A_22 = vector.load %arg3[%swap3A_20, %swap3A_21] : memref<80x128xf32, #tpu.memory_space<vmem>>, vector<80x128xf32>
    tpu.vector_store %arg3[%swap3A_20, %swap3A_21], %rsqrt3A {strides = array<i32>} : memref<80x128xf32, #tpu.memory_space<vmem>>, vector<80x128xf32>,
    return
  }
}

module attributes {stable_mosaic.version = 14 : i64} {
  func.func @_final_body(%arg0: memref<2x80x128xf32, #tpu.memory_space<vmem>>, %arg1: memref<80x128xf32, #tpu.memory_space<vmem>>, %arg2: memref<80x128xf32, #tpu.memory_space<vmem>>, %arg3: memref<1x32xf32, #tpu.memory_space<vmem>>, %arg4: memref<32x1xf32, #tpu.memory_space<vmem>>, %arg5: memref<1x1xf32, #tpu.memory_space<vmem>>, %arg6: memref<80x128xf32, #tpu.memory_space<vmem>>) attributes {dimension_semantics = [], scalar_prefetch = 0 : i64, scratch_operands = 0 : i64, tpu.core_type = #tpu.core_type<tc>} {
    %get3A = arith.constant 0 : index
    %get3A_0 = arith.constant 0 : index
    %get3A_1 = vector.load %arg3[%get3A, %get3A_0] : memref<1x32xf32, #tpu.memory_space<vmem>>, vector<1x32xf32>
    %get3A_2 = arith.constant 0 : index
    %get3A_3 = arith.constant 0 : index
    %get3A_4 = vector.load %arg4[%get3A_2, %get3A_3] : memref<32x1xf32, #tpu.memory_space<vmem>>, vector<32x1xf32>
    %dot_general3A = arith.constant dense<0.000000e+00> : vector<1x1xf32>
    %dot_general3A_5 = tpu.matmul %get3A_1, %get3A_4, %dot_general3A {dimension_numbers = #tpu.dot_dimension_numbers<[1], [0], [0], [1], [0, 0, 1, 1], [], []>, transpose_lhs_hint = false} : vector<1x32xf32>, vector<32x1xf32>, vector<1x1xf32> -> vector<1x1xf32>
    %get3A_6 = arith.constant 0 : index
    %get3A_7 = arith.constant 0 : index
    %get3A_8 = vector.load %arg5[%get3A_6, %get3A_7] : memref<1x1xf32, #tpu.memory_space<vmem>>, vector<1x1xf32>
    %add3A = arith.addf %dot_general3A_5, %get3A_8 : vector<1x1xf32>
    %get3A_9 = arith.constant 0 : index
    %get3A_10 = arith.constant 0 : index
    %get3A_11 = arith.constant 0 : index
    %get3A_12 = vector.load %arg0[%get3A_9, %get3A_10, %get3A_11] : memref<2x80x128xf32, #tpu.memory_space<vmem>>, vector<2x80x128xf32>
    %get3A_13 = arith.constant 0 : index
    %get3A_14 = arith.constant 0 : index
    %get3A_15 = vector.load %arg2[%get3A_13, %get3A_14] : memref<80x128xf32, #tpu.memory_space<vmem>>, vector<80x128xf32>
    %slice3A = vector.extract_strided_slice %get3A_12 {offsets = [0, 0, 0], sizes = [1, 80, 128], strides = [1, 1, 1]} : vector<2x80x128xf32> to vector<1x80x128xf32>
    %squeeze3A = vector.shape_cast %slice3A : vector<1x80x128xf32> to vector<80x128xf32>
    %slice3A_16 = vector.extract_strided_slice %get3A_12 {offsets = [1, 0, 0], sizes = [1, 80, 128], strides = [1, 1, 1]} : vector<2x80x128xf32> to vector<1x80x128xf32>
    %squeeze3A_17 = vector.shape_cast %slice3A_16 : vector<1x80x128xf32> to vector<80x128xf32>
    %add3A_18 = arith.addf %squeeze3A, %squeeze3A_17 : vector<80x128xf32>
    %get3A_19 = arith.constant 0 : index
    %get3A_20 = arith.constant 0 : index
    %get3A_21 = vector.load %arg1[%get3A_19, %get3A_20] : memref<80x128xf32, #tpu.memory_space<vmem>>, vector<80x128xf32>
    %add3A_22 = arith.addf %add3A_18, %get3A_21 : vector<80x128xf32>
    %mul3A = arith.mulf %get3A_15, %add3A_22 : vector<80x128xf32>
    %add3A_23 = vector.broadcast %add3A : vector<1x1xf32> to vector<80x128xf32>
    %add3A_24 = arith.addf %mul3A, %add3A_23 : vector<80x128xf32>
    %swap3A = arith.constant 0 : index
    %swap3A_25 = arith.constant 0 : index
    %swap3A_26 = vector.load %arg6[%swap3A, %swap3A_25] : memref<80x128xf32, #tpu.memory_space<vmem>>, vector<80x128xf32>
    tpu.vector_store %arg6[%swap3A, %swap3A_25], %add3A_24 {strides = array<i32>} : memref<80x128xf32, #tpu.memory_space<vmem>>, vector<80x128xf32>,
    return
  }
}

</mosaic_0001>

<sc_bundles>
// kernel: kernel.12.cloned.1.call-start
scs
__scs_entry_jumppad:
0x0: {  	(pc) =	sbr.rel $0x88, $3  }
0x1: {  	(tag) =	ssettag $0x0;
	lr =	simm.s32 $0x1  }
0x2: {  	[smem:$0x3F93] =	sst lr;
	_ =	strace $0xD0000000  }
0x3: {  	_ = 	snop  }
0x4: {  	_ = 	snop  }
0x5: {  	_ = 	snop  }
0x6: {  	_ = 	snop  }
0x7: {  	_ = 	snop  }
__scs_overlays_trampoline_lowered:
0x8: {  	[smem:$0x3FA2] =	sst s0  }
0x9: {  	[smem:$0x3FA3] =	sst s1  }
0xa: {  	[smem:$0x3FA4] =	sst s2  }
0xb: {  	[smem:$0x3FA5] =	sst s3  }
0xc: {  	[smem:$0x3FA6] =	sst s4  }
0xd: {  	[smem:$0x3FA7] =	sst s5  }
0xe: {  	[smem:$0x3FA8] =	sst s6  }
0xf: {  	[smem:$0x3FA9] =	sst s7  }
0x10: {  	[smem:$0x3FAA] =	sst s8  }
0x11: {  	[smem:$0x3FAB] =	sst s9;
	s0 =	simm.s32 @!p0 $0x0  }
0x12: {  	s1 =	sld [smem:$0x3F91];
	s0 =	simm.s32 @p0 $0x1  }
0x13: {  	[smem:$0x3FAC] =	sst s0;
	s0 =	simm.s32 @!p1 $0x0  }
0x14: {  	s2 =	sld [smem:$0x3F90];
	s0 =	simm.s32 @p1 $0x1  }
0x15: {  	[smem:$0x3FAD] =	sst s0;
	s0 =	simm.s32 @!p2 $0x0  }
0x16: {  	s3 =	sld [smem:$0x3FDB];
	s0 =	simm.s32 @p2 $0x1  }
0x17: {  	s4 =	simm.s32 $0x1BF5;
	[smem:$0x3FAF] =	sst s0  }
0x18: {  	s0 =	sld [smem:$0x3F92];
	_ =	swait.ge [sflag:s4], $0x0  }
0x19: {  	s7 =	sld [smem:$0x3F93]  }
0x1a: {  	s8 =	sadd.s32 $0xFFFFE003, lr  }
0x1b: {  	s9 =	sadd.s32 $0xFFFFFEF7, lr;
	s5 =	simm.s32 $0xFFFFFFFF;
	p2 =	slt.u32 s8, $0xFFFFF086  }
0x1c: {  	p1 =	slt.u32 s9, $0xF7A;
	s5 =	simm.s32 @!p2 $0x0  }
0x1d: {  	s5 =	simm.s32 @p1 $0x1;
	p0 =	seq.s32 s7, s2  }
0x1e: {  	s7 =	smul.u32 @!p0 $0xF7A, s2;
	p2 =	seq.s32 @!p0 s5, $0x0  }
0x1f: {  	s9 =	smul.u32 $0xF7A, s1;
	s8 =	simm.s32 @!p0 $0x1BF5;
	p2 =	por !p2, p0  }
0x20: {  	[sflag:s8] =	ssyncset.s32 @!p0 $0xFFFFF086;
	s6 =	sadd.s32 @!p0 s3, s7;
	s7 =	simm.s32 @!p0 $0x108  }
0x21: {  	s3 =	sadd.s32 s3, s9;
	s6 =	sadd.s32 @!p0 $0x88, s6;
	s7 =	simm.s32 @p2 $0x1082  }
0x22: {  	[simem:s7], [sflag:s8] =	dma.local @!p0 [hbm:s6], $0xF7A  }
0x23: {  	s9 =	sor.u32 $0xD0000000, s2;
	s6 =	simm.s32 $0x108;
	_ =	swait.ge @!p0 [sflag:s8], $0x0  }
0x24: {  	s3 =	sadd.s32 $0x88, s3;
	s6 =	simm.s32 @!p1 $0x1082;
	[sflag:s4] =	ssyncset.s32 $0xFFFFF086  }
0x25: {  	[simem:s6], [sflag:s4] =	dma.local [hbm:s3], $0xF7A  }
0x26: {  	[smem:$0x3F93] =	sst s1;
	(tag) =	ssettag s2;
	_ =	strace s9  }
0x27: {  	s1 =	sld [smem:$0x3FA3]  }
0x28: {  	s2 =	sld [smem:$0x3FA4]  }
0x29: {  	s4 =	sld [smem:$0x3FA6]  }
0x2a: {  	p0 =	seq.s32 s5, $0x0;
	s5 =	sld [smem:$0x3FA7]  }
0x2b: {  	s6 =	sld [smem:$0x3FA8]  }
0x2c: {  	s7 =	sld [smem:$0x3FA9]  }
0x2d: {  	s3 =	simm.s32 $0x108;
	s8 =	sld [smem:$0x3FAA]  }
0x2e: {  	s3 =	simm.s32 @!p0 $0x1082;
	s9 =	sld [smem:$0x3FAB]  }
0x2f: {  	lr =	sadd.s32 s0, s3;
	s0 =	sld [smem:$0x3FA2]  }
0x30: {  	s3 =	sld [smem:$0x3FA5]  }
0x31: {  	[smem:$0x3FAE] =	sst s10  }
0x32: {  	s10 =	sld [smem:$0x3FAC];
	_ =	sdelay $0x3  }
0x33: {  	p0 =	seq.s32 s10, $0x1;
	s10 =	sld [smem:$0x3FAE];
	_ =	sdelay $0x3  }
0x34: {  	[smem:$0x3FAE] =	sst s10  }
0x35: {  	s10 =	sld [smem:$0x3FAD];
	_ =	sdelay $0x3  }
0x36: {  	p1 =	seq.s32 s10, $0x1;
	s10 =	sld [smem:$0x3FAE];
	_ =	sdelay $0x3  }
0x37: {  	[smem:$0x3FAE] =	sst s10  }
0x38: {  	s10 =	sld [smem:$0x3FAF]  }
0x39: {  	_ = 	snop;
	(pc) =	sbr.ind lr, $3  }
0x3a: {  	_ = 	snop  }
0x3b: {  	_ = 	snop  }
0x3c: {  	p2 =	seq.s32 s10, $0x1;
	s10 =	sld [smem:$0x3FAE]  }
0x3d: {  	_ =	shalt  }
0x3e: {  	_ =	shalt  }
0x3f: {  	_ =	shalt  }
0x40: {  	_ =	shalt  }
0x41: {  	_ =	shalt  }
0x42: {  	_ =	shalt  }
0x43: {  	_ =	shalt  }
0x44: {  	_ =	shalt  }
0x45: {  	_ =	shalt  }
0x46: {  	_ =	shalt  }
0x47: {  	_ =	shalt  }
0x48: {  	_ =	shalt  }
0x49: {  	_ =	shalt  }
0x4a: {  	_ =	shalt  }
0x4b: {  	_ =	shalt  }
0x4c: {  	_ =	shalt  }
0x4d: {  	_ =	shalt  }
0x4e: {  	_ =	shalt  }
0x4f: {  	_ =	shalt  }
0x50: {  	_ =	shalt  }
0x51: {  	_ =	shalt  }
0x52: {  	_ =	shalt  }
0x53: {  	_ =	shalt  }
0x54: {  	_ =	shalt  }
0x55: {  	_ =	shalt  }
0x56: {  	_ =	shalt  }
0x57: {  	_ =	shalt  }
0x58: {  	_ =	shalt  }
0x59: {  	_ =	shalt  }
0x5a: {  	_ =	shalt  }
0x5b: {  	_ =	shalt  }
0x5c: {  	_ =	shalt  }
0x5d: {  	_ =	shalt  }
0x5e: {  	_ =	shalt  }
0x5f: {  	_ =	shalt  }
0x60: {  	_ =	shalt  }
0x61: {  	_ =	shalt  }
0x62: {  	_ =	shalt  }
0x63: {  	_ =	shalt  }
0x64: {  	_ =	shalt  }
0x65: {  	_ =	shalt  }
0x66: {  	_ =	shalt  }
0x67: {  	_ =	shalt  }
0x68: {  	_ =	shalt  }
0x69: {  	_ =	shalt  }
0x6a: {  	_ =	shalt  }
0x6b: {  	_ =	shalt  }
0x6c: {  	_ =	shalt  }
0x6d: {  	_ =	shalt  }
0x6e: {  	_ =	shalt  }
0x6f: {  	_ =	shalt  }
0x70: {  	_ =	shalt  }
0x71: {  	_ =	shalt  }
0x72: {  	_ =	shalt  }
0x73: {  	_ =	shalt  }
0x74: {  	_ =	shalt  }
0x75: {  	_ =	shalt  }
0x76: {  	_ =	shalt  }
0x77: {  	_ =	shalt  }
0x78: {  	_ =	shalt  }
0x79: {  	_ =	shalt  }
0x7a: {  	_ =	shalt  }
0x7b: {  	_ =	shalt  }
0x7c: {  	_ =	shalt  }
0x7d: {  	_ =	shalt  }
0x7e: {  	_ =	shalt  }
0x7f: {  	_ =	shalt  }
0x80: {  	_ =	shalt  }
0x81: {  	_ =	shalt  }
0x82: {  	_ =	shalt  }
0x83: {  	_ =	shalt  }
0x84: {  	_ =	shalt  }
0x85: {  	_ =	shalt  }
0x86: {  	_ =	shalt  }
0x87: {  	_ =	shalt  }
.Lfunc_end0:
.L_simem_size_0:
called_computation.1_lowered:
.L_overlay_start_0:
0x88: {  	s2 =	sld [smem:$0x3FD9]  }
0x89: {  	s3 =	sld [smem:$0x3FFE];
	_ =	sdelay $0x1  }
0x8a: {  	s1 =	srdreg.scid  }
0x8b: {  	s0 =	sand.u32 $0x1, s1  }
0x8c: {  	s16 =	sshll.u32 s0, $0xA;
	s2 =	sadd.s32 s3, s2  }
0x8d: {  	s2 =	sadd.s32 s2, s16  }
0x8e: {  	[smem:$0x3FBA] =	sst s2  }
0x8f: {  	_ = 	snop  }
0x90: {  	(tm) =	ssettm $0x1  }
0x91: {  	s17 =	sld [smem:$0x3FFB];
	_ =	sdelay $0x3  }
0x92: {  	_ =	strace s17  }
0x93: {  	s2 =	sld [smem:$0x3FFC];
	_ =	sdelay $0x3  }
0x94: {  	_ =	strace s2  }
0x95: {  	s2 =	sld [smem:$0x3FFD];
	_ =	sdelay $0x3  }
0x96: {  	_ =	strace s2  }
0x97: {  	_ =	strace $0x8FFFFFFF  }
0x98: {  	s18 =	sld [smem:$0x3FDB];
	_ =	sdelay $0x1  }
0x99: {  	s19 =	simm.s32 $_scs_section_size  }
0x9a: {  	s4 =	simm.s32 $_size__tile_overlayer_lowered;
	s5 =	simm.s32 $_tile_overlayer_lowered  }
0x9b: {  	s22 =	simm.s32 $0x1BFF;
	s21 =	sshll.u32 s5, $0x1;
	s2 =	sadd.s32 s19, s18  }
0x9c: {  	s6 =	simm.s32 $0x0;
	s20 =	sshll.u32 s4, $0x1;
	s4 =	sadd.s32 s21, s2  }
0x9d: {  	[timem:s6], [sflag:s22] =	dma.local [hbm:s4], s20  }
0x9e: {  	_ =	swait.ge [sflag:s22], s20  }
0x9f: {  	s3 =	ssub.s32 $0x0, s20;
	[sflag:s22] =	ssyncset.done $0x0  }
0xa0: {  	[sflag:s22] =	ssyncadd.s32 s3;
	_ =	sdelay $0x1  }
0xa1: {  	s23 =	simm.s32 $0x1B8B  }
0xa2: {  	_ =	swait.ge [sflag:s23], $0x1  }
0xa3: {  	[sflag:s23] =	ssyncset.done $0x0  }
0xa4: {  	s25 =	simm.s32 $0x1B8E;
	s24 =	sld [smem:$0x3FFE];
	[sflag:s23] =	ssyncadd.s32 $0xFFFFFFFF  }
0xa5: {  	s26 =	simm.s32 $execute0_lowered;
	[smem:$0x3FD2] =	sst s25  }
0xa6: {  	s4 =	sshll.u32 s26, $0x1;
	_ =	strace $0x80000049;
	[dreg:$0x1] =	wrdreg $0xFFFFFFFF  }
0xa7: {  	s28 =	simm.s32 $_size_execute0_lowered;
	s2 =	sadd.s32 s2, s4;
	[dreg:$0x0] =	wrdreg $0x0  }
0xa8: {  	s4 =	sshll.u32 s28, $0x1;
	[dreg:$0x2] =	wrdreg s2  }
0xa9: {  	[dreg:$0x3] =	wrdreg s4  }
0xaa: {  	[dreg:$0x4] =	wrdreg $0xC0  }
0xab: {  	_ =	task [dreg:s6], $0x5FFFF  }
0xac: {  	[dreg:$0x1] =	wrdreg $0xFFFFFFFF  }
0xad: {  	[dreg:$0x0] =	wrdreg $0x60  }
0xae: {  	[dreg:$0x2] =	wrdreg s24  }
0xaf: {  	[dreg:$0x3] =	wrdreg $0xA1800  }
0xb0: {  	[dreg:$0x4] =	wrdreg $0x9  }
0xb1: {  	_ =	task.clear_ibuf [dreg:s6], $0x5FFFF;
	_ =	strace $0x90000049  }
0xb2: {  	s29 =	simm.s32 $0x9;
	_ =	strace $0x8000004B  }
0xb3: {  	_ =	swait.ge [sflag:s29], $0x1  }
0xb4: {  	[sflag:s29] =	ssyncadd.s32 $0xFFFFFFFF  }
0xb5: {  	_ =	strace $0x9000004B  }
0xb6: {  	_ =	sfence  }
0xb7: {  	s30 =	sld [smem:$0x0];
	_ =	sdelay $0x2  }
0xb8: {  	s31 =	sshll.u32 s1, $0xD;
	s1 =	sshrl.u32 s1, $0x2  }
0xb9: {  	s3 =	sand.u32 $0x4000, s31;
	s1 =	sadd.s32 s1, s30  }
0xba: {  	s0 =	sor.u32 s3, s0;
	s1 =	sshll.u32 s1, $0x11  }
0xbb: {  	s0 =	sor.u32 s1, s0  }
0xbc: {  	s0 =	sadd.s32 $0x8F2B, s0  }
0xbd: {  	[sflag:s0] =	ssyncadd.remote.s32 $0x1  }
0xbe: {  	_ =	sfence.sel $0xFFFF  }
0xbf: {  	[dreg:$0x0] =	wrdreg $0xFFFFFFFF;
	(pc) =	sbr.abs _section_cstart, $3  }
0xc0: {  	[dreg:$0x1] =	wrdreg $0xFFFFFFFF  }
0xc1: {  	_ =	task.clear_ibuf [dreg:s6], $0x2FFFF;
	_ =	strace $0x9FFFFFFF  }
0xc2: {  	(tm) =	ssettm $0x7FFFFFFF  }
0xc3: {  	_ =	shalt  }
tec
execute0_lowered:
.L_overlay_start_1:
0x0: {  	(tag) =	ssettag $0x1  }
0x1: {  	s0 =	srdreg.scid;
	s6 =	rddreg [dreg:$0x0]  }
0x2: {  	s2 =	rddreg [dreg:$0x1];
	s3 =	simm.s32 $0x0;
	s12 =	simm.s32 $0x80  }
0x3: {  	s13 =	simm.s32 $0x400;
	s14 =	simm.s32 $0x2780;
	s15 =	simm.s32 $0x4F80  }
0x4: {  	s16 =	simm.s32 $0x100;
	s17 =	simm.s32 $0x0;
	s5 =	sand.u32 $0x1, s0  }
0x5: {  	s0 =	stileid.u32;
	[smem:$0x7FF] =	sst s3;
	s1 =	sshll.u32 s5, $0x4  }
0x6: {  	s29 =	sshll.u32 s0, $0x7;
	s30 =	smul.u32 $0x500, s0;
	s10 =	sshll.u32 s5, $0x7  }
0x7: {  	s11 =	smul.u32 $0xA00, s0;
	s5 =	ssub.s32 $0x2, s5;
	s4 =	sor.u32 s0, s1  }
0x8: {  	s8 =	sand.u32 $0x380, s29;
	s1 =	sshrl.u32 s4, $0x3;
	s4 =	smul.u32 $0x500, s4  }
0x9: {  	s31 =	sshrl.u32 s5, $0x1;
	s11 =	sshrl.u32 s11, $0x2;
	s7 =	smul.u32 $0x13C00, s1  }
0xa: {  	s1 =	rddreg [dreg:$0x2];
	_ =	strace $0x8000004A;
	s9 =	sadd.s32 s4, s6  }
0xb: {  	s4 =	sadd.s32 $0xA200, s6;
	s7 =	sor.u32 s8, s7;
	s8 =	sor.u32 s10, s30  }
0xc: {  	s10 =	ssub.s32 s5, s31;
	s5 =	sadd.s32 s11, s2;
	s7 =	sshrl.u32 s7, $0x3  }
0xd: {  	s11 =	simm.s32 $0x1;
	s8 =	sshrl.u32 s8, $0x3;
	s7 =	sadd.s32 s7, s6  }
0xe: {  	s8 =	sadd.s32 s8, s6;
	s6 =	sadd.s32 $0xBA00, s7;
	s7 =	sadd.s32 $0x200, s9  }
0xf: {  	v0 =	vimm.f32 $0.0e+00;
	s8 =	sadd.s32 $0xA800, s8;
	s9 =	smax.u32 s10, $0x1;
	s10 =	simm.s32 $0x9F00  }
.LBB2_1:
0x10: {  	[tilespmem:$0x9F00] =	vst v0  }
0x11: {  	[tilespmem:$0x9F10] =	vst v0  }
0x12: {  	[tilespmem:$0x9F20] =	vst v0  }
0x13: {  	[tilespmem:$0x9F30] =	vst v0  }
0x14: {  	[tilespmem:$0x9F40] =	vst v0  }
0x15: {  	[tilespmem:$0x9F50] =	vst v0  }
0x16: {  	[tilespmem:$0x9F60] =	vst v0  }
0x17: {  	[tilespmem:$0x9F70] =	vst v0  }
0x18: {  	[tilespmem:$0x9F80] =	vst v0  }
0x19: {  	[tilespmem:$0x9F90] =	vst v0  }
0x1a: {  	[tilespmem:$0x9FA0] =	vst v0  }
0x1b: {  	[tilespmem:$0x9FB0] =	vst v0  }
0x1c: {  	[tilespmem:$0x9FC0] =	vst v0  }
0x1d: {  	[tilespmem:$0x9FD0] =	vst v0  }
0x1e: {  	[tilespmem:$0x9FE0] =	vst v0  }
0x1f: {  	[tilespmem:$0x9FF0] =	vst v0  }
0x20: {  	[tilespmem:$0xA000] =	vst v0  }
0x21: {  	[tilespmem:$0xA010] =	vst v0  }
0x22: {  	[tilespmem:$0xA020] =	vst v0  }
0x23: {  	[tilespmem:$0xA030] =	vst v0  }
0x24: {  	[tilespmem:$0xA040] =	vst v0  }
0x25: {  	[tilespmem:$0xA050] =	vst v0  }
0x26: {  	[tilespmem:$0xA060] =	vst v0  }
0x27: {  	[tilespmem:$0xA070] =	vst v0  }
0x28: {  	[tilespmem:$0xA080] =	vst v0  }
0x29: {  	[tilespmem:$0xA090] =	vst v0  }
0x2a: {  	[tilespmem:$0xA0A0] =	vst v0  }
0x2b: {  	[tilespmem:$0xA0B0] =	vst v0  }
0x2c: {  	[tilespmem:$0xA0C0] =	vst v0  }
0x2d: {  	[tilespmem:$0xA0D0] =	vst v0  }
0x2e: {  	[tilespmem:$0xA0E0] =	vst v0  }
0x2f: {  	[tilespmem:$0xA0F0] =	vst v0  }
0x30: {  	[tilespmem:$0xA100] =	vst v0  }
0x31: {  	[tilespmem:$0xA110] =	vst v0  }
0x32: {  	[tilespmem:$0xA120] =	vst v0  }
0x33: {  	[tilespmem:$0xA130] =	vst v0  }
0x34: {  	[tilespmem:$0xA140] =	vst v0  }
0x35: {  	[tilespmem:$0xA150] =	vst v0  }
0x36: {  	[tilespmem:$0xA160] =	vst v0  }
0x37: {  	[tilespmem:$0xA170] =	vst v0  }
0x38: {  	[spmem:s5] =	stream.linear.scatter [tilespmem:s10], [sflag:$0x1], $0x280, $0x38;
	[tilespmem:$0xA400] =	vst v63  }
0x39: {  	_ =	swait.ge [sflag:s11], $0x280  }
0x3a: {  	[sflag:s11] =	ssyncset.done $0x0  }
0x3b: {  	[sflag:s11] =	ssyncadd.s32 $0xFFFFFD80  }
0x3c: {  	[tilespmem:s3], [sflag:$0x1] =	stream.strided.gather [hbm4b:s6+s12], $0x2780, s13, s12, $0x38;
	[tilespmem:$0xA400] =	vst v63  }
0x3d: {  	_ =	swait.ge [sflag:s11], $0x2780  }
0x3e: {  	[sflag:s11] =	ssyncset.done $0x0  }
0x3f: {  	[sflag:s11] =	ssyncadd.s32 $0xFFFFD880  }
0x40: {  	[tilespmem:s14], [sflag:$0x1] =	stream.linear.gather [hbm4b:s7+s3], $0x2780, $0x38;
	[tilespmem:$0xA400] =	vst v63  }
0x41: {  	_ =	swait.ge [sflag:s11], $0x2780  }
0x42: {  	[sflag:s11] =	ssyncset.done $0x0  }
0x43: {  	[sflag:s11] =	ssyncadd.s32 $0xFFFFD880  }
0x44: {  	[tilespmem:s15], [sflag:$0x1] =	stream.linear.gather [hbm4b:s4+s3], $0x2800, $0x38;
	[tilespmem:$0xA400] =	vst v63  }
0x45: {  	_ =	swait.ge [sflag:s11], $0x2800  }
0x46: {  	[sflag:s11] =	ssyncset.done $0x0  }
0x47: {  	s18 =	simm.s32 $0x0;
	[sflag:s11] =	ssyncadd.s32 $0xFFFFD800  }
0x48: {  	v1 =	vld [tilespmem:s18+$0x0];
	_ =	sdelay $0x7  }
0x49: {  	s19 =	simm.s32 $0x10;
	s20 =	simm.s32 $0x80;
	v1 =	vld.idx.msk [tilespmem:v1+s15+$0x0], $0xffff  }
.LBB2_2:
0x4a: {  	p0 =	sne.s32 s20, $0x9DC0;
	v2 =	vld [tilespmem:s19+$0x0];
	_ =	sdelay $0x3  }
.Ltmp0:
0x4b: {  	(pc) =	sbr.rel @p0 .LBB2_2-.Ltmp0, $2  }
0x4c: {  	[tilespmem:s18+$0x7780] =	vst v1;
	s18 =	smov.u32 s19;
	_ =	sdelay $0x2  }
0x4d: {  	s19 =	sshra.s32 s20, $0x2;
	s20 =	sadd.s32 $0x40, s20;
	v1 =	vld.idx.msk [tilespmem:v2+s15+$0x0], $0xffff  }
0x4e: {  	v2 =	vld [tilespmem:s19+$0x0];
	_ =	sdelay $0x6  }
0x4f: {  	[tilespmem:s18+$0x7780] =	vst v1  }
0x50: {  	v1 =	vld.idx.msk [tilespmem:v2+s15+$0x0], $0xffff;
	_ =	sdelay $0x4  }
0x51: {  	[tilespmem:s19+$0x7780] =	vst v1  }
0x52: {  	s30 =	simm.s32 $0x7780;
	s31 =	simm.s32 $0x2780;
	[bflag:$0x0] =	sbarrier.arrive $0xFFFF  }
0x53: {  	[spmem:s2] =	stream.indirect.scatter.add.f32 [tilespmem:s30], [sflag:$0x1], $0x1, s31, s12, $0xb8;
	[tilespmem:$0xA400] =	vst v63  }
0x54: {  	s18 =	simm.s32 $0x200;
	_ =	swait.ge [sflag:s11], $0x80  }
.LBB2_4:
0x55: {  	s19 =	sshra.s32 s18, $0x2  }
0x56: {  	[sflag:s11] =	ssyncset.done $0x0;
	p0 =	sne.s32 s18, $0x9C00;
	s20 =	sadd.s32 $0x7780, s19  }
.Ltmp1:
0x57: {  	s19 =	sadd.s32 $0x2780, s19;
	[sflag:s11] =	ssyncadd.s32 $0xFFFFFF80;
	(pc) =	sbr.rel @p0 .LBB2_4-.Ltmp1, $3  }
0x58: {  	[spmem:s2] =	stream.indirect.scatter.add.f32 [tilespmem:s20], [sflag:$0x1], $0x1, s19, s12, $0xb8;
	[tilespmem:$0xA400] =	vst v63  }
0x59: {  	s18 =	sadd.s32 $0x200, s18;
	_ =	sdelay $0x1  }
0x5a: {  	_ =	swait.ge [sflag:s11], $0x80  }
0x5b: {  	[sflag:s11] =	ssyncset.done $0x0  }
0x5c: {  	[sflag:s11] =	ssyncadd.s32 $0xFFFFFF80  }
0x5d: {  	[bflag:$0x0] =	sbarrier.arrive $0xFFFF  }
0x5e: {  	[tilespmem:s10], [sflag:$0x1] =	stream.linear.gather [spmem:s5], $0x280, $0x38;
	[tilespmem:$0xA400] =	vst v63  }
0x5f: {  	s17 =	sadd.s32 $0x1, s17;
	_ =	swait.ge [sflag:s11], $0x280  }
0x60: {  	p0 =	sne.s32 s17, s9;
	[sflag:s11] =	ssyncset.done $0x0  }
.Ltmp2:
0x61: {  	[sflag:s11] =	ssyncadd.s32 $0xFFFFFD80;
	(pc) =	sbr.rel @p0 .LBB2_1-.Ltmp2, $4  }
0x62: {  	[hbm4b:s8+s12] =	stream.strided.scatter [tilespmem:s10], [sflag:$0x1], $0x280, s16, s12, $0x38;
	[tilespmem:$0xA400] =	vst v63  }
0x63: {  	_ =	swait.ge [sflag:s11], $0x280  }
0x64: {  	[sflag:s11] =	ssyncset.done $0x0  }
0x65: {  	[sflag:s11] =	ssyncadd.s32 $0xFFFFFD80  }
0x66: {  	_ =	sfence.sel $0x180000  }
0x67: {  	[bflag:$0x0] =	sbarrier.arrive $0xFFFF  }
0x68: {  	p0 =	sne.s32 s0, $0x0;
	_ =	strace $0x9000004A  }
0x69: {  	s0 =	sadd.s32 @!p0 $0x100000, s1;
	[bflag:$0x2] =	sbarrier.arrive $0xFFFF  }
0x6a: {  	[sflag:s0] =	ssyncadd.tile.s32 @!p0 $0x1;
	_ =	shalt  }
.Lfunc_end2:
_tile_overlayer_lowered:
.L_overlay_start_2:
0x6b: {  	(tag) =	ssettag $0x2  }
0x6c: {  	s0 =	rddreg [dreg:$0x0];
	s2 =	stileid.u32  }
0x6d: {  	s1 =	rddreg [dreg:$0x1];
	p0 =	sne.s32 s2, $0x0  }
0x6e: {  	s3 =	rddreg [dreg:$0x2];
	[bflag:$0x3] =	sbarrier.arrive $0xFFFF;
	s2 =	simm.s32 @!p0 $0x1C01  }
0x6f: {  	[timem:s3], [sflag:s2] =	dma.local @!p0 [hbm:s0], s1  }
0x70: {  	s0 =	simm.s32 @!p0 $0x1  }
0x71: {  	_ =	swait.ge @!p0 [sflag:s0], s1  }
0x72: {  	s1 =	ssub.s32 @!p0 $0x0, s1;
	[sflag:s0] =	ssyncset.done @!p0 $0x0  }
0x73: {  	[sflag:s0] =	ssyncadd.s32 @!p0 s1  }
0x74: {  	[bflag:$0x3] =	sbarrier.arrive $0xFFFF  }
0x75: {  	_ =	shalt  }

// kernel: kernel.9.cloned.1.call-start
scs
__scs_entry_jumppad:
0x0: {  	(pc) =	sbr.rel $0x88, $3  }
0x1: {  	(tag) =	ssettag $0x0;
	lr =	simm.s32 $0x1  }
0x2: {  	[smem:$0x3F93] =	sst lr;
	_ =	strace $0xD0000000  }
0x3: {  	_ = 	snop  }
0x4: {  	_ = 	snop  }
0x5: {  	_ = 	snop  }
0x6: {  	_ = 	snop  }
0x7: {  	_ = 	snop  }
__scs_overlays_trampoline_lowered:
0x8: {  	[smem:$0x3FA2] =	sst s0  }
0x9: {  	[smem:$0x3FA3] =	sst s1  }
0xa: {  	[smem:$0x3FA4] =	sst s2  }
0xb: {  	[smem:$0x3FA5] =	sst s3  }
0xc: {  	[smem:$0x3FA6] =	sst s4  }
0xd: {  	[smem:$0x3FA7] =	sst s5  }
0xe: {  	[smem:$0x3FA8] =	sst s6  }
0xf: {  	[smem:$0x3FA9] =	sst s7  }
0x10: {  	[smem:$0x3FAA] =	sst s8  }
0x11: {  	[smem:$0x3FAB] =	sst s9;
	s0 =	simm.s32 @!p0 $0x0  }
0x12: {  	s1 =	sld [smem:$0x3F91];
	s0 =	simm.s32 @p0 $0x1  }
0x13: {  	[smem:$0x3FAC] =	sst s0;
	s0 =	simm.s32 @!p1 $0x0  }
0x14: {  	s2 =	sld [smem:$0x3F90];
	s0 =	simm.s32 @p1 $0x1  }
0x15: {  	[smem:$0x3FAD] =	sst s0;
	s0 =	simm.s32 @!p2 $0x0  }
0x16: {  	s3 =	sld [smem:$0x3FDB];
	s0 =	simm.s32 @p2 $0x1  }
0x17: {  	s4 =	simm.s32 $0x1BF5;
	[smem:$0x3FAF] =	sst s0  }
0x18: {  	s0 =	sld [smem:$0x3F92];
	_ =	swait.ge [sflag:s4], $0x0  }
0x19: {  	s7 =	sld [smem:$0x3F93]  }
0x1a: {  	s8 =	sadd.s32 $0xFFFFE003, lr  }
0x1b: {  	s9 =	sadd.s32 $0xFFFFFEF7, lr;
	s5 =	simm.s32 $0xFFFFFFFF;
	p2 =	slt.u32 s8, $0xFFFFF086  }
0x1c: {  	p1 =	slt.u32 s9, $0xF7A;
	s5 =	simm.s32 @!p2 $0x0  }
0x1d: {  	s5 =	simm.s32 @p1 $0x1;
	p0 =	seq.s32 s7, s2  }
0x1e: {  	s7 =	smul.u32 @!p0 $0xF7A, s2;
	p2 =	seq.s32 @!p0 s5, $0x0  }
0x1f: {  	s9 =	smul.u32 $0xF7A, s1;
	s8 =	simm.s32 @!p0 $0x1BF5;
	p2 =	por !p2, p0  }
0x20: {  	[sflag:s8] =	ssyncset.s32 @!p0 $0xFFFFF086;
	s6 =	sadd.s32 @!p0 s3, s7;
	s7 =	simm.s32 @!p0 $0x108  }
0x21: {  	s3 =	sadd.s32 s3, s9;
	s6 =	sadd.s32 @!p0 $0x88, s6;
	s7 =	simm.s32 @p2 $0x1082  }
0x22: {  	[simem:s7], [sflag:s8] =	dma.local @!p0 [hbm:s6], $0xF7A  }
0x23: {  	s9 =	sor.u32 $0xD0000000, s2;
	s6 =	simm.s32 $0x108;
	_ =	swait.ge @!p0 [sflag:s8], $0x0  }
0x24: {  	s3 =	sadd.s32 $0x88, s3;
	s6 =	simm.s32 @!p1 $0x1082;
	[sflag:s4] =	ssyncset.s32 $0xFFFFF086  }
0x25: {  	[simem:s6], [sflag:s4] =	dma.local [hbm:s3], $0xF7A  }
0x26: {  	[smem:$0x3F93] =	sst s1;
	(tag) =	ssettag s2;
	_ =	strace s9  }
0x27: {  	s1 =	sld [smem:$0x3FA3]  }
0x28: {  	s2 =	sld [smem:$0x3FA4]  }
0x29: {  	s4 =	sld [smem:$0x3FA6]  }
0x2a: {  	p0 =	seq.s32 s5, $0x0;
	s5 =	sld [smem:$0x3FA7]  }
0x2b: {  	s6 =	sld [smem:$0x3FA8]  }
0x2c: {  	s7 =	sld [smem:$0x3FA9]  }
0x2d: {  	s3 =	simm.s32 $0x108;
	s8 =	sld [smem:$0x3FAA]  }
0x2e: {  	s3 =	simm.s32 @!p0 $0x1082;
	s9 =	sld [smem:$0x3FAB]  }
0x2f: {  	lr =	sadd.s32 s0, s3;
	s0 =	sld [smem:$0x3FA2]  }
0x30: {  	s3 =	sld [smem:$0x3FA5]  }
0x31: {  	[smem:$0x3FAE] =	sst s10  }
0x32: {  	s10 =	sld [smem:$0x3FAC];
	_ =	sdelay $0x3  }
0x33: {  	p0 =	seq.s32 s10, $0x1;
	s10 =	sld [smem:$0x3FAE];
	_ =	sdelay $0x3  }
0x34: {  	[smem:$0x3FAE] =	sst s10  }
0x35: {  	s10 =	sld [smem:$0x3FAD];
	_ =	sdelay $0x3  }
0x36: {  	p1 =	seq.s32 s10, $0x1;
	s10 =	sld [smem:$0x3FAE];
	_ =	sdelay $0x3  }
0x37: {  	[smem:$0x3FAE] =	sst s10  }
0x38: {  	s10 =	sld [smem:$0x3FAF]  }
0x39: {  	_ = 	snop;
	(pc) =	sbr.ind lr, $3  }
0x3a: {  	_ = 	snop  }
0x3b: {  	_ = 	snop  }
0x3c: {  	p2 =	seq.s32 s10, $0x1;
	s10 =	sld [smem:$0x3FAE]  }
0x3d: {  	_ =	shalt  }
0x3e: {  	_ =	shalt  }
0x3f: {  	_ =	shalt  }
0x40: {  	_ =	shalt  }
0x41: {  	_ =	shalt  }
0x42: {  	_ =	shalt  }
0x43: {  	_ =	shalt  }
0x44: {  	_ =	shalt  }
0x45: {  	_ =	shalt  }
0x46: {  	_ =	shalt  }
0x47: {  	_ =	shalt  }
0x48: {  	_ =	shalt  }
0x49: {  	_ =	shalt  }
0x4a: {  	_ =	shalt  }
0x4b: {  	_ =	shalt  }
0x4c: {  	_ =	shalt  }
0x4d: {  	_ =	shalt  }
0x4e: {  	_ =	shalt  }
0x4f: {  	_ =	shalt  }
0x50: {  	_ =	shalt  }
0x51: {  	_ =	shalt  }
0x52: {  	_ =	shalt  }
0x53: {  	_ =	shalt  }
0x54: {  	_ =	shalt  }
0x55: {  	_ =	shalt  }
0x56: {  	_ =	shalt  }
0x57: {  	_ =	shalt  }
0x58: {  	_ =	shalt  }
0x59: {  	_ =	shalt  }
0x5a: {  	_ =	shalt  }
0x5b: {  	_ =	shalt  }
0x5c: {  	_ =	shalt  }
0x5d: {  	_ =	shalt  }
0x5e: {  	_ =	shalt  }
0x5f: {  	_ =	shalt  }
0x60: {  	_ =	shalt  }
0x61: {  	_ =	shalt  }
0x62: {  	_ =	shalt  }
0x63: {  	_ =	shalt  }
0x64: {  	_ =	shalt  }
0x65: {  	_ =	shalt  }
0x66: {  	_ =	shalt  }
0x67: {  	_ =	shalt  }
0x68: {  	_ =	shalt  }
0x69: {  	_ =	shalt  }
0x6a: {  	_ =	shalt  }
0x6b: {  	_ =	shalt  }
0x6c: {  	_ =	shalt  }
0x6d: {  	_ =	shalt  }
0x6e: {  	_ =	shalt  }
0x6f: {  	_ =	shalt  }
0x70: {  	_ =	shalt  }
0x71: {  	_ =	shalt  }
0x72: {  	_ =	shalt  }
0x73: {  	_ =	shalt  }
0x74: {  	_ =	shalt  }
0x75: {  	_ =	shalt  }
0x76: {  	_ =	shalt  }
0x77: {  	_ =	shalt  }
0x78: {  	_ =	shalt  }
0x79: {  	_ =	shalt  }
0x7a: {  	_ =	shalt  }
0x7b: {  	_ =	shalt  }
0x7c: {  	_ =	shalt  }
0x7d: {  	_ =	shalt  }
0x7e: {  	_ =	shalt  }
0x7f: {  	_ =	shalt  }
0x80: {  	_ =	shalt  }
0x81: {  	_ =	shalt  }
0x82: {  	_ =	shalt  }
0x83: {  	_ =	shalt  }
0x84: {  	_ =	shalt  }
0x85: {  	_ =	shalt  }
0x86: {  	_ =	shalt  }
0x87: {  	_ =	shalt  }
.Lfunc_end0:
.L_simem_size_0:
called_computation_lowered:
.L_overlay_start_0:
0x88: {  	s2 =	sld [smem:$0x3FD9]  }
0x89: {  	s3 =	sld [smem:$0x3FFE];
	_ =	sdelay $0x1  }
0x8a: {  	s1 =	srdreg.scid  }
0x8b: {  	s0 =	sand.u32 $0x1, s1  }
0x8c: {  	s16 =	sshll.u32 s0, $0xA;
	s2 =	sadd.s32 s3, s2  }
0x8d: {  	s2 =	sadd.s32 s2, s16  }
0x8e: {  	[smem:$0x3FBA] =	sst s2  }
0x8f: {  	_ = 	snop  }
0x90: {  	(tm) =	ssettm $0x1  }
0x91: {  	s17 =	sld [smem:$0x3FFB];
	_ =	sdelay $0x3  }
0x92: {  	_ =	strace s17  }
0x93: {  	s2 =	sld [smem:$0x3FFC];
	_ =	sdelay $0x3  }
0x94: {  	_ =	strace s2  }
0x95: {  	s2 =	sld [smem:$0x3FFD];
	_ =	sdelay $0x3  }
0x96: {  	_ =	strace s2  }
0x97: {  	_ =	strace $0x8FFFFFFF  }
0x98: {  	s18 =	sld [smem:$0x3FDB];
	_ =	sdelay $0x1  }
0x99: {  	s19 =	simm.s32 $_scs_section_size  }
0x9a: {  	s4 =	simm.s32 $_size__tile_overlayer_lowered;
	s5 =	simm.s32 $_tile_overlayer_lowered  }
0x9b: {  	s22 =	simm.s32 $0x1BFF;
	s21 =	sshll.u32 s5, $0x1;
	s2 =	sadd.s32 s19, s18  }
0x9c: {  	s6 =	simm.s32 $0x0;
	s20 =	sshll.u32 s4, $0x1;
	s4 =	sadd.s32 s21, s2  }
0x9d: {  	[timem:s6], [sflag:s22] =	dma.local [hbm:s4], s20  }
0x9e: {  	_ =	swait.ge [sflag:s22], s20  }
0x9f: {  	s3 =	ssub.s32 $0x0, s20;
	[sflag:s22] =	ssyncset.done $0x0  }
0xa0: {  	[sflag:s22] =	ssyncadd.s32 s3;
	_ =	sdelay $0x1  }
0xa1: {  	s23 =	simm.s32 $0x1B8B  }
0xa2: {  	_ =	swait.ge [sflag:s23], $0x1  }
0xa3: {  	[sflag:s23] =	ssyncset.done $0x0  }
0xa4: {  	s25 =	simm.s32 $0x1B8E;
	s24 =	sld [smem:$0x3FFE];
	[sflag:s23] =	ssyncadd.s32 $0xFFFFFFFF  }
0xa5: {  	s26 =	simm.s32 $execute0_lowered;
	[smem:$0x3FD2] =	sst s25  }
0xa6: {  	s4 =	sshll.u32 s26, $0x1;
	_ =	strace $0x80000046;
	[dreg:$0x1] =	wrdreg $0xFFFFFFFF  }
0xa7: {  	s28 =	simm.s32 $_size_execute0_lowered;
	s2 =	sadd.s32 s2, s4;
	[dreg:$0x0] =	wrdreg $0x0  }
0xa8: {  	s4 =	sshll.u32 s28, $0x1;
	[dreg:$0x2] =	wrdreg s2  }
0xa9: {  	[dreg:$0x3] =	wrdreg s4  }
0xaa: {  	[dreg:$0x4] =	wrdreg $0xC0  }
0xab: {  	_ =	task [dreg:s6], $0x5FFFF  }
0xac: {  	[dreg:$0x1] =	wrdreg $0xFFFFFFFF  }
0xad: {  	[dreg:$0x0] =	wrdreg $0x60  }
0xae: {  	[dreg:$0x2] =	wrdreg s24  }
0xaf: {  	[dreg:$0x3] =	wrdreg $0x52000  }
0xb0: {  	[dreg:$0x4] =	wrdreg $0x9  }
0xb1: {  	_ =	task.clear_ibuf [dreg:s6], $0x5FFFF;
	_ =	strace $0x90000046  }
0xb2: {  	s29 =	simm.s32 $0x9;
	_ =	strace $0x80000048  }
0xb3: {  	_ =	swait.ge [sflag:s29], $0x1  }
0xb4: {  	[sflag:s29] =	ssyncadd.s32 $0xFFFFFFFF  }
0xb5: {  	_ =	strace $0x90000048  }
0xb6: {  	_ =	sfence  }
0xb7: {  	s30 =	sld [smem:$0x0];
	_ =	sdelay $0x2  }
0xb8: {  	s31 =	sshll.u32 s1, $0xD;
	s1 =	sshrl.u32 s1, $0x2  }
0xb9: {  	s3 =	sand.u32 $0x4000, s31;
	s1 =	sadd.s32 s1, s30  }
0xba: {  	s0 =	sor.u32 s3, s0;
	s1 =	sshll.u32 s1, $0x11  }
0xbb: {  	s0 =	sor.u32 s1, s0  }
0xbc: {  	s0 =	sadd.s32 $0x8F2B, s0  }
0xbd: {  	[sflag:s0] =	ssyncadd.remote.s32 $0x1  }
0xbe: {  	_ =	sfence.sel $0xFFFF  }
0xbf: {  	[dreg:$0x0] =	wrdreg $0xFFFFFFFF;
	(pc) =	sbr.abs _section_cstart, $3  }
0xc0: {  	[dreg:$0x1] =	wrdreg $0xFFFFFFFF  }
0xc1: {  	_ =	task.clear_ibuf [dreg:s6], $0x2FFFF;
	_ =	strace $0x9FFFFFFF  }
0xc2: {  	(tm) =	ssettm $0x7FFFFFFF  }
0xc3: {  	_ =	shalt  }
tec
execute0_lowered:
.L_overlay_start_1:
0x0: {  	(tag) =	ssettag $0x1  }
0x1: {  	s4 =	rddreg [dreg:$0x0]  }
0x2: {  	s1 =	rddreg [dreg:$0x1]  }
0x3: {  	s2 =	srdreg.scid;
	s0 =	rddreg [dreg:$0x2];
	s3 =	simm.s32 $0x0  }
0x4: {  	s10 =	simm.s32 $0x80;
	s11 =	simm.s32 $0x100;
	s12 =	simm.s32 $0x0  }
0x5: {  	s5 =	sand.u32 $0x1, s2;
	s2 =	stileid.u32;
	[smem:$0x7FF] =	sst s3  }
0x6: {  	s6 =	sshll.u32 s5, $0x4;
	s7 =	smul.u32 $0x500, s2;
	s8 =	sshll.u32 s5, $0x7  }
0x7: {  	s5 =	ssub.s32 $0x2, s5;
	s30 =	smul.u32 $0xA00, s2;
	s6 =	sor.u32 s2, s6  }
0x8: {  	_ =	strace $0x80000047;
	s9 =	sshrl.u32 s5, $0x1;
	s6 =	smul.u32 $0x500, s6  }
0x9: {  	s7 =	sor.u32 s8, s7;
	s9 =	ssub.s32 s5, s9;
	s31 =	sshrl.u32 s30, $0x2  }
0xa: {  	s8 =	simm.s32 $0x4F80;
	s7 =	sshrl.u32 s7, $0x3;
	s6 =	sadd.s32 s6, s4  }
0xb: {  	s7 =	sadd.s32 s7, s4;
	s4 =	sadd.s32 s31, s1;
	s5 =	sadd.s32 $0x200, s6  }
0xc: {  	v0 =	vimm.f32 $0.0e+00;
	v1 =	vimm.f32 $1.000000000e+00;
	s6 =	sadd.s32 $0xA200, s7;
	s7 =	smax.u32 s9, $0x1;
	s9 =	simm.s32 $0x1  }
.LBB2_1:
0xd: {  	[tilespmem:$0x4F80] =	vst v0  }
0xe: {  	[tilespmem:$0x4F90] =	vst v0  }
0xf: {  	[tilespmem:$0x4FA0] =	vst v0  }
0x10: {  	[tilespmem:$0x4FB0] =	vst v0  }
0x11: {  	[tilespmem:$0x4FC0] =	vst v0  }
0x12: {  	[tilespmem:$0x4FD0] =	vst v0  }
0x13: {  	[tilespmem:$0x4FE0] =	vst v0  }
0x14: {  	[tilespmem:$0x4FF0] =	vst v0  }
0x15: {  	[tilespmem:$0x5000] =	vst v0  }
0x16: {  	[tilespmem:$0x5010] =	vst v0  }
0x17: {  	[tilespmem:$0x5020] =	vst v0  }
0x18: {  	[tilespmem:$0x5030] =	vst v0  }
0x19: {  	[tilespmem:$0x5040] =	vst v0  }
0x1a: {  	[tilespmem:$0x5050] =	vst v0  }
0x1b: {  	[tilespmem:$0x5060] =	vst v0  }
0x1c: {  	[tilespmem:$0x5070] =	vst v0  }
0x1d: {  	[tilespmem:$0x5080] =	vst v0  }
0x1e: {  	[tilespmem:$0x5090] =	vst v0  }
0x1f: {  	[tilespmem:$0x50A0] =	vst v0  }
0x20: {  	[tilespmem:$0x50B0] =	vst v0  }
0x21: {  	[tilespmem:$0x50C0] =	vst v0  }
0x22: {  	[tilespmem:$0x50D0] =	vst v0  }
0x23: {  	[tilespmem:$0x50E0] =	vst v0  }
0x24: {  	[tilespmem:$0x50F0] =	vst v0  }
0x25: {  	[tilespmem:$0x5100] =	vst v0  }
0x26: {  	[tilespmem:$0x5110] =	vst v0  }
0x27: {  	[tilespmem:$0x5120] =	vst v0  }
0x28: {  	[tilespmem:$0x5130] =	vst v0  }
0x29: {  	[tilespmem:$0x5140] =	vst v0  }
0x2a: {  	[tilespmem:$0x5150] =	vst v0  }
0x2b: {  	[tilespmem:$0x5160] =	vst v0  }
0x2c: {  	[tilespmem:$0x5170] =	vst v0  }
0x2d: {  	[tilespmem:$0x5180] =	vst v0  }
0x2e: {  	[tilespmem:$0x5190] =	vst v0  }
0x2f: {  	[tilespmem:$0x51A0] =	vst v0  }
0x30: {  	[tilespmem:$0x51B0] =	vst v0  }
0x31: {  	[tilespmem:$0x51C0] =	vst v0  }
0x32: {  	[tilespmem:$0x51D0] =	vst v0  }
0x33: {  	[tilespmem:$0x51E0] =	vst v0  }
0x34: {  	[tilespmem:$0x51F0] =	vst v0  }
0x35: {  	[spmem:s4] =	stream.linear.scatter [tilespmem:s8], [sflag:$0x1], $0x280, $0x38;
	[tilespmem:$0x5480] =	vst v63  }
0x36: {  	_ =	swait.ge [sflag:s9], $0x280  }
0x37: {  	[sflag:s9] =	ssyncset.done $0x0  }
0x38: {  	[sflag:s9] =	ssyncadd.s32 $0xFFFFFD80  }
0x39: {  	[tilespmem:s3], [sflag:$0x1] =	stream.linear.gather [hbm4b:s5+s3], $0x2780, $0x38;
	[tilespmem:$0x5480] =	vst v63  }
0x3a: {  	_ =	swait.ge [sflag:s9], $0x2780  }
0x3b: {  	[sflag:s9] =	ssyncset.done $0x0  }
0x3c: {  	s13 =	simm.s32 $0x40;
	s14 =	simm.s32 $0x0;
	[sflag:s9] =	ssyncadd.s32 $0xFFFFD880  }
.LBB2_2:
0x3d: {  	p0 =	sne.s32 s13, $0x9C00;
	[tilespmem:s14+$0x2800] =	vst v1;
	s14 =	smov.u32 s13;
	s13 =	sadd.s32 $0x40, s13  }
.Ltmp0:
0x3e: {  	(pc) =	sbr.rel @p0 .LBB2_2-.Ltmp0, $2  }
0x3f: {  	_ =	sdelay $0x2  }
0x40: {  	s14 =	sshra.s32 s14, $0x2  }
0x41: {  	[tilespmem:s14+$0x2800] =	vst v1  }
0x42: {  	[tilespmem:$0x4F10] =	vst v0  }
0x43: {  	[tilespmem:$0x4F20] =	vst v0  }
0x44: {  	[tilespmem:$0x4F30] =	vst v0  }
0x45: {  	[tilespmem:$0x4F40] =	vst v0  }
0x46: {  	[tilespmem:$0x4F50] =	vst v0  }
0x47: {  	[tilespmem:$0x4F60] =	vst v0  }
0x48: {  	[tilespmem:$0x4F70] =	vst v0  }
0x49: {  	s13 =	simm.s32 $0x0;
	s31 =	simm.s32 $0x2800;
	[bflag:$0x0] =	sbarrier.arrive $0xFFFF  }
0x4a: {  	[spmem:s1] =	stream.indirect.scatter.add.f32 [tilespmem:s31], [sflag:$0x1], $0x1, s13, s10, $0xb8;
	[tilespmem:$0x5480] =	vst v63  }
0x4b: {  	s13 =	simm.s32 $0x200;
	_ =	swait.ge [sflag:s9], $0x80  }
.LBB2_4:
0x4c: {  	s14 =	sshra.s32 s13, $0x2;
	[sflag:s9] =	ssyncset.done $0x0;
	p0 =	sne.s32 s13, $0x9C00  }
.Ltmp1:
0x4d: {  	s15 =	sadd.s32 $0x2800, s14;
	[sflag:s9] =	ssyncadd.s32 $0xFFFFFF80;
	(pc) =	sbr.rel @p0 .LBB2_4-.Ltmp1, $3  }
0x4e: {  	[spmem:s1] =	stream.indirect.scatter.add.f32 [tilespmem:s15], [sflag:$0x1], $0x1, s14, s10, $0xb8;
	[tilespmem:$0x5480] =	vst v63  }
0x4f: {  	s13 =	sadd.s32 $0x200, s13;
	_ =	sdelay $0x1  }
0x50: {  	_ =	swait.ge [sflag:s9], $0x80  }
0x51: {  	[sflag:s9] =	ssyncset.done $0x0  }
0x52: {  	[sflag:s9] =	ssyncadd.s32 $0xFFFFFF80  }
0x53: {  	[bflag:$0x0] =	sbarrier.arrive $0xFFFF  }
0x54: {  	[tilespmem:s8], [sflag:$0x1] =	stream.linear.gather [spmem:s4], $0x280, $0x38;
	[tilespmem:$0x5480] =	vst v63  }
0x55: {  	s12 =	sadd.s32 $0x1, s12;
	_ =	swait.ge [sflag:s9], $0x280  }
0x56: {  	p0 =	sne.s32 s12, s7;
	[sflag:s9] =	ssyncset.done $0x0  }
.Ltmp2:
0x57: {  	[sflag:s9] =	ssyncadd.s32 $0xFFFFFD80;
	(pc) =	sbr.rel @p0 .LBB2_1-.Ltmp2, $4  }
0x58: {  	[hbm4b:s6+s10] =	stream.strided.scatter [tilespmem:s8], [sflag:$0x1], $0x280, s11, s10, $0x38;
	[tilespmem:$0x5480] =	vst v63  }
0x59: {  	_ =	swait.ge [sflag:s9], $0x280  }
0x5a: {  	[sflag:s9] =	ssyncset.done $0x0  }
0x5b: {  	[sflag:s9] =	ssyncadd.s32 $0xFFFFFD80  }
0x5c: {  	_ =	sfence.sel $0x180000  }
0x5d: {  	[bflag:$0x0] =	sbarrier.arrive $0xFFFF  }
0x5e: {  	p0 =	sne.s32 s2, $0x0;
	_ =	strace $0x90000047  }
0x5f: {  	s0 =	sadd.s32 @!p0 $0x100000, s0;
	[bflag:$0x2] =	sbarrier.arrive $0xFFFF  }
0x60: {  	[sflag:s0] =	ssyncadd.tile.s32 @!p0 $0x1;
	_ =	shalt  }
.Lfunc_end2:
_tile_overlayer_lowered:
.L_overlay_start_2:
0x61: {  	(tag) =	ssettag $0x2  }
0x62: {  	s0 =	rddreg [dreg:$0x0];
	s2 =	stileid.u32  }
0x63: {  	s1 =	rddreg [dreg:$0x1];
	p0 =	sne.s32 s2, $0x0  }
0x64: {  	s3 =	rddreg [dreg:$0x2];
	[bflag:$0x3] =	sbarrier.arrive $0xFFFF;
	s2 =	simm.s32 @!p0 $0x1C01  }
0x65: {  	[timem:s3], [sflag:s2] =	dma.local @!p0 [hbm:s0], s1  }
0x66: {  	s0 =	simm.s32 @!p0 $0x1  }
0x67: {  	_ =	swait.ge @!p0 [sflag:s0], s1  }
0x68: {  	s1 =	ssub.s32 @!p0 $0x0, s1;
	[sflag:s0] =	ssyncset.done @!p0 $0x0  }
0x69: {  	[sflag:s0] =	ssyncadd.s32 @!p0 s1  }
0x6a: {  	[bflag:$0x3] =	sbarrier.arrive $0xFFFF  }
0x6b: {  	_ =	shalt  }

</sc_bundles>
